<compile_context>
chip_gen: v7x
topology: tpu7x:2x2x1
jax: 0.10.2.dev20260603
libtpu: 0.0.44.dev20260713+nightly
codegen_flags: <defaults>
</compile_context>

<pallas_src>
import functools

import jax
import jax.numpy as jnp
from jax import lax
from jax.experimental import pallas as pl
from jax.experimental.pallas import tpu as pltpu
from jax.experimental.pallas import tpu_sc as plsc

N = 10000
E = 160000
D = 128
H = 8
DK = 16

BLK = 2000
EBLK = 2000
NB = N // BLK
EB = E // EBLK

NTILE = 16
EDGES_TILE = E // NTILE
CHUNK = 40
NGROUP = (CHUNK + 15) // 16
NCHUNK = EDGES_TILE // CHUNK
NPAD = 10240
ROWS_TILE = NPAD // NTILE
NATT = NPAD // 16


def _pre_body(x_ref, wsq_ref, wsk_ref, wsv_ref, wcq_ref, wck_ref, wcv_ref,
              qs_ref, qc_ref, kv_ref, m_ref, ks_ref):
    j = pl.program_id(1)
    x = x_ref[0]
    qs = jax.nn.sigmoid(jnp.dot(x, wsq_ref[0], preferred_element_type=jnp.float32))
    ks = jax.nn.sigmoid(jnp.dot(x, wsk_ref[0], preferred_element_type=jnp.float32))
    vs = jnp.dot(x, wsv_ref[0], preferred_element_type=jnp.float32)
    qs_ref[0] = qs
    m_part = lax.dot_general(ks, vs, (((0,), (0,)), ((), ())),
                             preferred_element_type=jnp.float32)
    ks_part = jnp.sum(ks, axis=0, keepdims=True)

    @pl.when(j == 0)
    def _():
        m_ref[0] = m_part
        ks_ref[0] = ks_part

    @pl.when(j != 0)
    def _():
        m_ref[0] += m_part
        ks_ref[0] += ks_part

    qc_ref[0] = jnp.dot(x, wcq_ref[0], preferred_element_type=jnp.float32)
    kv_ref[0, :, :D] = jnp.dot(x, wck_ref[0], preferred_element_type=jnp.float32)
    kv_ref[0, :, D:] = jnp.dot(x, wcv_ref[0], preferred_element_type=jnp.float32)


def _tc_pre(x, wsq, wsk, wsv, wcq, wck, wcv, interpret=False):
    node_spec = pl.BlockSpec((1, BLK, D), lambda i, j: (i, j, 0))
    w_spec = pl.BlockSpec((1, D, D), lambda i, j: (i, 0, 0))
    return pl.pallas_call(
        _pre_body,
        grid=(2, NB),
        in_specs=[node_spec] + [w_spec] * 6,
        out_specs=[node_spec, node_spec,
                   pl.BlockSpec((1, BLK, 2 * D), lambda i, j: (i, j, 0)),
                   pl.BlockSpec((1, D, D), lambda i, j: (i, 0, 0)),
                   pl.BlockSpec((1, 1, D), lambda i, j: (i, 0, 0))],
        out_shape=[jax.ShapeDtypeStruct((2, N, D), jnp.float32)] * 2 +
                  [jax.ShapeDtypeStruct((2, N, 2 * D), jnp.float32),
                   jax.ShapeDtypeStruct((2, D, D), jnp.float32),
                   jax.ShapeDtypeStruct((2, 1, D), jnp.float32)],
        interpret=interpret,
    )(x, wsq, wsk, wsv, wcq, wck, wcv)


def _edge_body(ef_ref, wea_ref, web_ref, out_ref):
    ef = ef_ref[...]
    out_ref[0] = jnp.dot(ef, wea_ref[...], preferred_element_type=jnp.float32)
    out_ref[1] = jnp.dot(ef, web_ref[...], preferred_element_type=jnp.float32)


def _tc_edge(ef, wea, web, interpret=False):
    return pl.pallas_call(
        _edge_body,
        grid=(EB,),
        in_specs=[pl.BlockSpec((EBLK, D), lambda j: (j, 0)),
                  pl.BlockSpec((D, D), lambda j: (0, 0)),
                  pl.BlockSpec((D, D), lambda j: (0, 0))],
        out_specs=pl.BlockSpec((2, EBLK, D), lambda j: (0, j, 0)),
        out_shape=jax.ShapeDtypeStruct((2, E, D), jnp.float32),
        interpret=interpret,
    )(ef, wea, web)


def _sc_edge_body(q_hbm, kv_hbm, ef_hbm, idx_hbm,
                  outm_hbm, outa_hbm,
                  idx2_v, qi_v, ti_v, ai_v, q_v, kv_v, ef_v, msg_v,
                  att_v, accm_sh, acca_sh,
                  sem0, sem1, sem2, sem3):
    c = lax.axis_index("c")
    s = lax.axis_index("s")
    qrow0 = c * N
    krow0 = (1 - c) * N

    zero16 = jnp.zeros((16,), jnp.float32)
    iota16 = lax.iota(jnp.int32, 16)

    def zrow(i, carry):
        for j in range(D // 16):
            msg_v[i, pl.ds(j * 16, 16)] = zero16
            att_v[i, pl.ds(j * 16, 16)] = zero16
        return carry

    lax.fori_loop(0, CHUNK, zrow, 0)

    for t in range(ROWS_TILE // CHUNK):
        r = s * ROWS_TILE + t * CHUNK
        pltpu.sync_copy(msg_v, accm_sh.at[pl.ds(r, CHUNK)])
    pltpu.sync_copy(att_v, acca_sh.at[pl.ds(s * (NATT // NTILE), NATT // NTILE)])
    plsc.subcore_barrier()

    def chunk_body(g, carry):
        base = s * EDGES_TILE + g * CHUNK
        pltpu.sync_copy(idx_hbm.at[(c * NTILE + s) * NCHUNK + g], idx2_v)
        for off in (0, 16, 24):
            sv = idx2_v[0, pl.ds(off, 16)]
            qi_v[pl.ds(off, 16)] = sv + qrow0
            ai_v[pl.ds(off, 16)] = sv >> 4
            ti_v[pl.ds(off, 16)] = idx2_v[1, pl.ds(off, 16)] + krow0
        cp0 = pltpu.async_copy(q_hbm.at[qi_v], q_v, sem0)
        cp1 = pltpu.async_copy(kv_hbm.at[ti_v], kv_v, sem1)
        cp3 = pltpu.async_copy(ef_hbm.at[pl.ds(c * E + base, CHUNK)], ef_v, sem3)
        cp0.wait()
        cp1.wait()
        cp3.wait()

        def group_body(t, ecarry):
            raw = iota16 + t * 16
            valid = raw < CHUNK
            eids = jnp.minimum(raw, CHUNK - 1)
            srcv = plsc.load_gather(idx2_v, [jnp.zeros((16,), jnp.int32), eids])
            base8 = (srcv & 15) * 8
            for h in range(H):
                sh = jnp.zeros((16,), jnp.float32)
                for k in range(DK):
                    dcol = jnp.full((16,), h * 16 + k, jnp.int32)
                    qv = plsc.load_gather(q_v, [eids, dcol])
                    kv = plsc.load_gather(kv_v, [eids, dcol])
                    fv = plsc.load_gather(ef_v, [eids, dcol])
                    sh = sh + qv * kv * fv
                a = jnp.exp(jnp.clip(sh * 0.25, -5.0, 5.0))
                plsc.store_scatter(att_v, [eids, base8 + h], a, mask=valid)
                for k in range(DK):
                    dcol = jnp.full((16,), D + h * 16 + k, jnp.int32)
                    vv = plsc.load_gather(kv_v, [eids, dcol])
                    plsc.store_scatter(msg_v, [eids, dcol - D], a * vv,
                                       mask=valid)
            return ecarry

        lax.fori_loop(0, 0, group_body, 0)
        pltpu.sync_copy(msg_v, accm_sh.at[idx2_v.at[0]], add=True)
        pltpu.sync_copy(att_v, acca_sh.at[ai_v], add=True)

        def rezero_body(t, ecarry):
            raw = iota16 + t * 16
            valid = raw < CHUNK
            eids = jnp.minimum(raw, CHUNK - 1)
            srcv = plsc.load_gather(idx2_v, [jnp.zeros((16,), jnp.int32), eids])
            base8 = (srcv & 15) * 8
            for h in range(H):
                plsc.store_scatter(att_v, [eids, base8 + h], zero16, mask=valid)
            return ecarry

        lax.fori_loop(0, 0, rezero_body, 0)
        return carry

    lax.fori_loop(0, NCHUNK, chunk_body, 0)
    plsc.subcore_barrier()
    for t in range(ROWS_TILE // CHUNK):
        r = s * ROWS_TILE + t * CHUNK
        pltpu.sync_copy(accm_sh.at[pl.ds(r, CHUNK)],
                        outm_hbm.at[pl.ds(c * NPAD + r, CHUNK)])
    ra = s * (NATT // NTILE)
    pltpu.sync_copy(acca_sh.at[pl.ds(ra, NATT // NTILE)],
                    outa_hbm.at[pl.ds(c * NATT + ra, NATT // NTILE)])


def _sc_edge(q, kv, ef, idx2):
    mesh = plsc.VectorSubcoreMesh(core_axis_name="c", subcore_axis_name="s")
    fn = functools.partial(
        pl.kernel,
        out_type=(jax.ShapeDtypeStruct((2 * NPAD, D), jnp.float32),
                  jax.ShapeDtypeStruct((2 * NATT, D), jnp.float32)),
        mesh=mesh,
        compiler_params=pltpu.CompilerParams(needs_layout_passes=False),
        scratch_types=[
            pltpu.VMEM((2, CHUNK), jnp.int32),
            pltpu.VMEM((CHUNK,), jnp.int32),
            pltpu.VMEM((CHUNK,), jnp.int32),
            pltpu.VMEM((CHUNK,), jnp.int32),
            pltpu.VMEM((CHUNK, D), jnp.float32),
            pltpu.VMEM((CHUNK, 2 * D), jnp.float32),
            pltpu.VMEM((CHUNK, D), jnp.float32),
            pltpu.VMEM((CHUNK, D), jnp.float32),
            pltpu.VMEM((CHUNK, D), jnp.float32),
            pltpu.VMEM_SHARED((NPAD, D), jnp.float32),
            pltpu.VMEM_SHARED((NATT, D), jnp.float32),
            pltpu.SemaphoreType.DMA,
            pltpu.SemaphoreType.DMA,
            pltpu.SemaphoreType.DMA,
            pltpu.SemaphoreType.DMA,
        ],
    )(_sc_edge_body)
    return fn(q, kv, ef, idx2)


def _ln(y, sc, b):
    m = jnp.mean(y, axis=-1, keepdims=True)
    var = jnp.mean((y - m) ** 2, axis=-1, keepdims=True)
    return (y - m) / jnp.sqrt(var + 1e-5) * sc + b


def _post_body(x_ref, qs_ref, m_ref, ksum_ref, msg_ref, att_ref,
               safc_ref, sas_ref, sab_ref,
               cafc_ref, cas_ref, cab_ref,
               fw1_ref, fw2_ref, fb_ref, fs_ref, fb2_ref,
               w1_ref, w2_ref, ns_ref, nb_ref,
               out_ref):
    x = x_ref[0]
    qs = qs_ref[0]

    rows = lax.broadcasted_iota(jnp.int32, (D, D), 0) // DK
    cols = lax.broadcasted_iota(jnp.int32, (D, D), 1) // DK
    mask = (rows == cols).astype(jnp.float32)

    m = m_ref[0] * mask
    num = jnp.dot(qs, m, preferred_element_type=jnp.float32)
    den = jnp.dot(qs * ksum_ref[0], mask, preferred_element_type=jnp.float32)
    sa = num / (den + 1e-8)
    self_out = _ln(jnp.dot(sa, safc_ref[0], preferred_element_type=jnp.float32) + x,
                   sas_ref[0], sab_ref[0])

    msg = msg_ref[0]
    coeff = att_ref[0]
    b8r = lax.broadcasted_iota(jnp.int32, (H, D), 0)
    b8c = lax.broadcasted_iota(jnp.int32, (H, D), 1) // DK
    b8 = (b8r == b8c).astype(jnp.float32)
    coeff_b = jnp.dot(coeff, b8, preferred_element_type=jnp.float32)
    ca = msg / (coeff_b + 1e-8)
    cross_out = _ln(jnp.dot(ca, cafc_ref[0], preferred_element_type=jnp.float32) + x,
                    cas_ref[0], cab_ref[0])

    fused = jnp.dot(self_out, fw1_ref[0], preferred_element_type=jnp.float32) + \
        jnp.dot(cross_out, fw2_ref[0], preferred_element_type=jnp.float32) + fb_ref[0]
    fused = _ln(jax.nn.relu(fused), fs_ref[0], fb2_ref[0])

    h1 = jax.nn.relu(jnp.dot(fused, w1_ref[0], preferred_element_type=jnp.float32))
    out = jnp.dot(h1, w2_ref[0], preferred_element_type=jnp.float32) + fused
    out_ref[0] = _ln(out, ns_ref[0], nb_ref[0])


def _tc_post(x, qs, m, ksum, accm, acca, safc, sas, sab, cafc, cas, cab,
             fw1, fw2, fb, fs, fb2, w1, w2, ns, nb, interpret=False):
    node_spec = pl.BlockSpec((1, BLK, D), lambda i, j: (i, j, 0))
    w_spec = pl.BlockSpec((1, D, D), lambda i, j: (i, 0, 0))
    vec_spec = pl.BlockSpec((1, 1, D), lambda i, j: (i, 0, 0))
    return pl.pallas_call(
        _post_body,
        grid=(2, NB),
        in_specs=[node_spec, node_spec, w_spec,
                  pl.BlockSpec((1, 1, D), lambda i, j: (i, 0, 0)),
                  pl.BlockSpec((1, BLK, D), lambda i, j: (i, j, 0)),
                  pl.BlockSpec((1, BLK, H), lambda i, j: (i, j, 0)),
                  w_spec, vec_spec, vec_spec,
                  w_spec, vec_spec, vec_spec,
                  w_spec, w_spec, vec_spec, vec_spec, vec_spec,
                  pl.BlockSpec((1, D, 512), lambda i, j: (i, 0, 0)),
                  pl.BlockSpec((1, 512, D), lambda i, j: (i, 0, 0)),
                  vec_spec, vec_spec],
        out_specs=node_spec,
        out_shape=jax.ShapeDtypeStruct((2, N, D), jnp.float32),
        interpret=interpret,
    )(x, qs, m, ksum, accm, acca, safc, sas, sab, cafc, cas, cab,
      fw1, fw2, fb, fs, fb2, w1, w2, ns, nb)


def kernel(constraint_features, edge_indices, edge_features, variable_features,
           params):
    cf = constraint_features[0]
    vf = variable_features[0]
    ef = edge_features[0]
    r0 = edge_indices[0, 0].astype(jnp.int32)
    r1 = edge_indices[0, 1].astype(jnp.int32)

    p = params
    x = jnp.stack([vf, cf])

    wsq = jnp.stack([p['sa_var']['Wq'], p['sa_con']['Wq']])
    wsk = jnp.stack([p['sa_var']['Wk'], p['sa_con']['Wk']])
    wsv = jnp.stack([p['sa_var']['Wv'], p['sa_con']['Wv']])
    wcq = jnp.stack([p['ca_v2c']['Wq'], p['ca_c2v']['Wq']])
    wck = jnp.stack([p['ca_c2v']['Wk'], p['ca_v2c']['Wk']])
    wcv = jnp.stack([p['ca_c2v']['Wv'], p['ca_v2c']['Wv']])

    qs, qc, kvc, m, ksum = _tc_pre(x, wsq, wsk, wsv, wcq, wck, wcv)
    efp = _tc_edge(ef, p['ca_v2c']['We'], p['ca_c2v']['We'])

    src = jnp.concatenate([r1, r0]).reshape(2, NTILE, NCHUNK, CHUNK)
    tgt = jnp.concatenate([r0, r1]).reshape(2, NTILE, NCHUNK, CHUNK)
    idx2 = jnp.stack([src, tgt], axis=3).reshape(2 * NTILE * NCHUNK, 2, CHUNK)
    accm, acca = _sc_edge(qc.reshape(2 * N, D), kvc.reshape(2 * N, 2 * D),
                          efp.reshape(2 * E, D), idx2)
    accm = accm.reshape(2, NPAD, D)
    acca = acca.reshape(2, NPAD, H)

    def vstack(a, b):
        return jnp.stack([a, b])[:, None, :]

    safc = jnp.stack([p['sa_var']['fc'], p['sa_con']['fc']])
    sas = vstack(p['sa_var']['ln_s'], p['sa_con']['ln_s'])
    sab = vstack(p['sa_var']['ln_b'], p['sa_con']['ln_b'])
    cafc = jnp.stack([p['ca_v2c']['fc'], p['ca_c2v']['fc']])
    cas = vstack(p['ca_v2c']['ln_s'], p['ca_c2v']['ln_s'])
    cab = vstack(p['ca_v2c']['ln_b'], p['ca_c2v']['ln_b'])
    fw1 = jnp.stack([p['fus_v']['W'][:D], p['fus_c']['W'][:D]])
    fw2 = jnp.stack([p['fus_v']['W'][D:], p['fus_c']['W'][D:]])
    fb = vstack(p['fus_v']['b'], p['fus_c']['b'])
    fs = vstack(p['fus_v']['ln_s'], p['fus_c']['ln_s'])
    fb2 = vstack(p['fus_v']['ln_b'], p['fus_c']['ln_b'])
    w1 = jnp.stack([p['ffn_var']['W1'], p['ffn_con']['W1']])
    w2 = jnp.stack([p['ffn_var']['W2'], p['ffn_con']['W2']])
    ns = vstack(p['ffn_var']['ln_s'], p['ffn_con']['ln_s'])
    nb = vstack(p['ffn_var']['ln_b'], p['ffn_con']['ln_b'])

    out = _tc_post(x, qs, m, ksum, accm, acca, safc, sas, sab, cafc, cas, cab,
                   fw1, fw2, fb, fs, fb2, w1, w2, ns, nb)
    return (out[0][None], out[1][None])

# --- scband reference (transcript-rebuilt; emitter-appended) ---
"""Pipeline reference for scband-dual-attention-layer-32246614458841 (READ-ONLY COPY).

The authoritative reference and input builder live on the scoring server;
editing this copy changes nothing except your own understanding.
"""

import jax, jax.numpy as jnp
import numpy as np

B = 1
N_C = 10000
N_V = 10000
E = 160000
D = 128
H = 8
DK = 16
DV = 16
DFF = 512


def _ln(x, s, b):
    m = x.mean(-1, keepdims=True)
    v = ((x - m) ** 2).mean(-1, keepdims=True)
    return (x - m) / jnp.sqrt(v + 1e-5) * s + b


def _self_attn(x, p):
    b = x.shape[0]
    Q = jax.nn.sigmoid((x @ p['Wq']).reshape(b, -1, H, DK).transpose(0, 2, 1, 3))
    K = jax.nn.sigmoid((x @ p['Wk']).reshape(b, -1, H, DK).transpose(0, 2, 1, 3))
    V = (x @ p['Wv']).reshape(b, -1, H, DV).transpose(0, 2, 1, 3)
    KV = jnp.einsum('bhnk,bhnv->bhkv', K, V)
    num = jnp.einsum('bhnk,bhkv->bhnv', Q, KV)
    k_sum = jnp.einsum('bhnk->bhk', K)
    den = jnp.einsum('bhnk,bhk->bhn', Q, k_sum)[..., None] + 1e-8
    out = (num / den).transpose(0, 2, 1, 3).reshape(b, -1, H * DV) @ p['fc']
    return _ln(out + x, p['ln_s'], p['ln_b'])


def _cross_attn(edge_indices, edge_features, inQ, inK, inV, p):
    b = inQ.shape[0]
    Q = (inQ @ p['Wq']).reshape(b, -1, H, DK).transpose(0, 2, 1, 3)
    K = (inK @ p['Wk']).reshape(b, -1, H, DK).transpose(0, 2, 1, 3)
    V = (inV @ p['Wv']).reshape(b, -1, H, DV).transpose(0, 2, 1, 3)
    Ef = (edge_features @ p['We']).reshape(b, -1, H, DV).transpose(0, 2, 1, 3)
    src = edge_indices[0, 0]
    tgt = edge_indices[0, 1]
    Qe = Q[:, :, src, :]
    Ke = K[:, :, tgt, :]
    Ve = V[:, :, tgt, :]
    scores = (Qe * Ke) / np.sqrt(DK)
    scores = scores * Ef
    attn = jnp.exp(jnp.clip(scores.sum(-1, keepdims=True), -5.0, 5.0))
    msg = attn * Ve
    out = jnp.zeros_like(Q).at[:, :, src, :].add(msg)
    coeff = jnp.zeros((b, H, Q.shape[2], 1), Q.dtype).at[:, :, src, :].add(attn)
    out = out / (coeff + 1e-8)
    out = out.transpose(0, 2, 1, 3).reshape(b, -1, H * DV) @ p['fc']
    return _ln(out + inQ, p['ln_s'], p['ln_b'])


def _ffn(x, p):
    h = jax.nn.relu(x @ p['W1']) @ p['W2']
    return _ln(h + x, p['ln_s'], p['ln_b'])


def _fusion(x, p):
    return _ln(jax.nn.relu(x @ p['W'] + p['b']), p['ln_s'], p['ln_b'])


def _forward(constraint_features, edge_indices, edge_features, variable_features, params):
    rev = edge_indices[:, ::-1, :]
    self_var = _self_attn(variable_features, params['sa_var'])
    cross_var = _cross_attn(rev, edge_features, variable_features, constraint_features, constraint_features, params['ca_v2c'])
    self_con = _self_attn(constraint_features, params['sa_con'])
    cross_con = _cross_attn(edge_indices, edge_features, constraint_features, variable_features, variable_features, params['ca_c2v'])
    comb_c = _fusion(jnp.concatenate([self_con, cross_con], axis=-1), params['fus_c'])
    comb_v = _fusion(jnp.concatenate([self_var, cross_var], axis=-1), params['fus_v'])
    out_c = _ffn(comb_c, params['ffn_con'])
    out_v = _ffn(comb_v, params['ffn_var'])
    return (out_v, out_c)


def _sa_params(key):
    ks = jax.random.split(key, 4)
    return {'Wq': 0.02 * jax.random.normal(ks[0], (D, DK * H)), 'Wk': 0.02 * jax.random.normal(ks[1], (D, DK * H)), 'Wv': 0.02 * jax.random.normal(ks[2], (D, DV * H)), 'fc': 0.02 * jax.random.normal(ks[3], (H * DV, D)), 'ln_s': jnp.ones((D,)), 'ln_b': jnp.zeros((D,))}


def _ca_params(key):
    ks = jax.random.split(key, 5)
    return {'Wq': 0.02 * jax.random.normal(ks[0], (D, DK * H)), 'Wk': 0.02 * jax.random.normal(ks[1], (D, DK * H)), 'Wv': 0.02 * jax.random.normal(ks[2], (D, DV * H)), 'We': 0.02 * jax.random.normal(ks[3], (D, DV * H)), 'fc': 0.02 * jax.random.normal(ks[4], (H * DV, D)), 'ln_s': jnp.ones((D,)), 'ln_b': jnp.zeros((D,))}


def _ffn_params(key):
    ks = jax.random.split(key, 2)
    return {'W1': 0.02 * jax.random.normal(ks[0], (D, DFF)), 'W2': 0.02 * jax.random.normal(ks[1], (DFF, D)), 'ln_s': jnp.ones((D,)), 'ln_b': jnp.zeros((D,))}


def _fus_params(key):
    return {'W': 0.02 * jax.random.normal(key, (2 * D, D)), 'b': jnp.zeros((D,)), 'ln_s': jnp.ones((D,)), 'ln_b': jnp.zeros((D,))}


def setup_inputs(seed: int = 0):
    key = jax.random.key(seed)
    ks = jax.random.split(key, 16)
    cf = jax.random.normal(ks[0], (B, N_C, D), dtype=jnp.float32)
    vf = jax.random.normal(ks[1], (B, N_V, D), dtype=jnp.float32)
    ef = jax.random.normal(ks[2], (B, E, D), dtype=jnp.float32)
    r0 = jax.random.randint(ks[3], (E,), 0, N_C)
    r1 = jax.random.randint(ks[4], (E,), 0, N_V)
    edge_indices = jnp.broadcast_to(jnp.stack([r0, r1])[None], (B, 2, E))
    params = {'sa_var': _sa_params(ks[5]), 'sa_con': _sa_params(ks[6]), 'ca_v2c': _ca_params(ks[7]), 'ca_c2v': _ca_params(ks[8]), 'fus_c': _fus_params(ks[9]), 'fus_v': _fus_params(ks[10]), 'ffn_con': _ffn_params(ks[11]), 'ffn_var': _ffn_params(ks[12])}
    return {'constraint_features': cf, 'edge_indices': edge_indices, 'edge_features': ef, 'variable_features': vf, 'params': params}


def reference(constraint_features, edge_indices, edge_features, variable_features, params):
    return _forward(constraint_features, edge_indices, edge_features, variable_features, params)

if __name__ == "__main__":
    import jax
    _d = setup_inputs()
    print(jax.jit(kernel)(*tuple(_d.values())))

</pallas_src>

<mosaic_0001>
#map = affine_map<(d0, d1) -> (0, 0)>
#map1 = affine_map<(d0, d1) -> (0, 0, 0)>
module attributes {stable_mosaic.version = 14 : i64} {
  func.func @_sc_edge_body(%arg0: i32, %arg1: i32, %arg2: memref<20000x128xf32, #tpu.memory_space<hbm>>, %arg3: memref<20000x256xf32, #tpu.memory_space<hbm>>, %arg4: memref<320000x128xf32, #tpu.memory_space<hbm>>, %arg5: memref<8000x2x40xi32, #tpu.memory_space<hbm>>, %arg6: memref<20480x128xf32, #tpu.memory_space<hbm>>, %arg7: memref<1280x128xf32, #tpu.memory_space<hbm>>, %arg8: memref<2x40xi32, #tpu.memory_space<vmem>>, %arg9: memref<40xi32, #tpu.memory_space<vmem>>, %arg10: memref<40xi32, #tpu.memory_space<vmem>>, %arg11: memref<40xi32, #tpu.memory_space<vmem>>, %arg12: memref<40x128xf32, #tpu.memory_space<vmem>>, %arg13: memref<40x256xf32, #tpu.memory_space<vmem>>, %arg14: memref<40x128xf32, #tpu.memory_space<vmem>>, %arg15: memref<40x128xf32, #tpu.memory_space<vmem>>, %arg16: memref<40x128xf32, #tpu.memory_space<vmem>>, %arg17: memref<10240x128xf32, #tpu.memory_space<vmem_shared>>, %arg18: memref<640x128xf32, #tpu.memory_space<vmem_shared>>, %arg19: memref<!tpu.dma_semaphore, #tpu.memory_space<semaphore_mem>>, %arg20: memref<!tpu.dma_semaphore, #tpu.memory_space<semaphore_mem>>, %arg21: memref<!tpu.dma_semaphore, #tpu.memory_space<semaphore_mem>>, %arg22: memref<!tpu.dma_semaphore, #tpu.memory_space<semaphore_mem>>) attributes {dimension_semantics = [#tpu.dimension_semantics<core_parallel>, #tpu.dimension_semantics<subcore_parallel>], iteration_bounds = array<i64: 2, 16>, scalar_prefetch = 0 : i64, scratch_operands = 15 : i64, tpu.core_type = #tpu.core_type<sc_vector_subcore>, window_params = [{transform_indices = #map}, {transform_indices = #map}, {transform_indices = #map}, {transform_indices = #map1}, {transform_indices = #map}, {transform_indices = #map}]} {
    %mul3A = arith.constant 10000 : i32
    %mul3A_0 = arith.muli %arg0, %mul3A : i32
    %sub3A = arith.constant 1 : i32
    %sub3A_1 = arith.subi %sub3A, %arg0 : i32
    %mul3A_2 = arith.constant 10000 : i32
    %mul3A_3 = arith.muli %sub3A_1, %mul3A_2 : i32
    %broadcast_in_dim3A = arith.constant 0.000000e+00 : f32
    %broadcast_in_dim3A_4 = vector.broadcast %broadcast_in_dim3A : f32 to vector<16xf32>
    %iota3A = tpu.iota {dimensions = array<i32: 0>} : vector<16xi32>
    %scan3A = arith.constant 0 : i32
    %scan3A_5 = arith.constant 0 : i32
    %scan3A_6 = arith.constant 40 : i32
    %scan3A_7 = arith.addi %scan3A_5, %scan3A_6 : i32
    %scan3A_8 = arith.constant 1 : i32
    scf.for %scan3A_199 = %scan3A_5 to %scan3A_7 step %scan3A_8  : i32 {
      %swap3A = arith.index_cast %scan3A_199 : i32 to index
      %swap3A_200 = arith.constant 0 : index
      %swap3A_201 = tpu.vector_load %arg15[%swap3A, %swap3A_200] {strides = array<i32>} : memref<40x128xf32, #tpu.memory_space<vmem>>, vector<16xf32>,
      tpu.vector_store %arg15[%swap3A, %swap3A_200], %broadcast_in_dim3A_4 {strides = array<i32>} : memref<40x128xf32, #tpu.memory_space<vmem>>, vector<16xf32>,
      %swap3A_202 = arith.index_cast %scan3A_199 : i32 to index
      %swap3A_203 = arith.constant 0 : index
      %swap3A_204 = tpu.vector_load %arg16[%swap3A_202, %swap3A_203] {strides = array<i32>} : memref<40x128xf32, #tpu.memory_space<vmem>>, vector<16xf32>,
      tpu.vector_store %arg16[%swap3A_202, %swap3A_203], %broadcast_in_dim3A_4 {strides = array<i32>} : memref<40x128xf32, #tpu.memory_space<vmem>>, vector<16xf32>,
      %swap3A_205 = arith.index_cast %scan3A_199 : i32 to index
      %swap3A_206 = arith.constant 16 : index
      %swap3A_207 = tpu.vector_load %arg15[%swap3A_205, %swap3A_206] {strides = array<i32>} : memref<40x128xf32, #tpu.memory_space<vmem>>, vector<16xf32>,
      tpu.vector_store %arg15[%swap3A_205, %swap3A_206], %broadcast_in_dim3A_4 {strides = array<i32>} : memref<40x128xf32, #tpu.memory_space<vmem>>, vector<16xf32>,
      %swap3A_208 = arith.index_cast %scan3A_199 : i32 to index
      %swap3A_209 = arith.constant 16 : index
      %swap3A_210 = tpu.vector_load %arg16[%swap3A_208, %swap3A_209] {strides = array<i32>} : memref<40x128xf32, #tpu.memory_space<vmem>>, vector<16xf32>,
      tpu.vector_store %arg16[%swap3A_208, %swap3A_209], %broadcast_in_dim3A_4 {strides = array<i32>} : memref<40x128xf32, #tpu.memory_space<vmem>>, vector<16xf32>,
      %swap3A_211 = arith.index_cast %scan3A_199 : i32 to index
      %swap3A_212 = arith.constant 32 : index
      %swap3A_213 = tpu.vector_load %arg15[%swap3A_211, %swap3A_212] {strides = array<i32>} : memref<40x128xf32, #tpu.memory_space<vmem>>, vector<16xf32>,
      tpu.vector_store %arg15[%swap3A_211, %swap3A_212], %broadcast_in_dim3A_4 {strides = array<i32>} : memref<40x128xf32, #tpu.memory_space<vmem>>, vector<16xf32>,
      %swap3A_214 = arith.index_cast %scan3A_199 : i32 to index
      %swap3A_215 = arith.constant 32 : index
      %swap3A_216 = tpu.vector_load %arg16[%swap3A_214, %swap3A_215] {strides = array<i32>} : memref<40x128xf32, #tpu.memory_space<vmem>>, vector<16xf32>,
      tpu.vector_store %arg16[%swap3A_214, %swap3A_215], %broadcast_in_dim3A_4 {strides = array<i32>} : memref<40x128xf32, #tpu.memory_space<vmem>>, vector<16xf32>,
      %swap3A_217 = arith.index_cast %scan3A_199 : i32 to index
      %swap3A_218 = arith.constant 48 : index
      %swap3A_219 = tpu.vector_load %arg15[%swap3A_217, %swap3A_218] {strides = array<i32>} : memref<40x128xf32, #tpu.memory_space<vmem>>, vector<16xf32>,
      tpu.vector_store %arg15[%swap3A_217, %swap3A_218], %broadcast_in_dim3A_4 {strides = array<i32>} : memref<40x128xf32, #tpu.memory_space<vmem>>, vector<16xf32>,
      %swap3A_220 = arith.index_cast %scan3A_199 : i32 to index
      %swap3A_221 = arith.constant 48 : index
      %swap3A_222 = tpu.vector_load %arg16[%swap3A_220, %swap3A_221] {strides = array<i32>} : memref<40x128xf32, #tpu.memory_space<vmem>>, vector<16xf32>,
      tpu.vector_store %arg16[%swap3A_220, %swap3A_221], %broadcast_in_dim3A_4 {strides = array<i32>} : memref<40x128xf32, #tpu.memory_space<vmem>>, vector<16xf32>,
      %swap3A_223 = arith.index_cast %scan3A_199 : i32 to index
      %swap3A_224 = arith.constant 64 : index
      %swap3A_225 = tpu.vector_load %arg15[%swap3A_223, %swap3A_224] {strides = array<i32>} : memref<40x128xf32, #tpu.memory_space<vmem>>, vector<16xf32>,
      tpu.vector_store %arg15[%swap3A_223, %swap3A_224], %broadcast_in_dim3A_4 {strides = array<i32>} : memref<40x128xf32, #tpu.memory_space<vmem>>, vector<16xf32>,
      %swap3A_226 = arith.index_cast %scan3A_199 : i32 to index
      %swap3A_227 = arith.constant 64 : index
      %swap3A_228 = tpu.vector_load %arg16[%swap3A_226, %swap3A_227] {strides = array<i32>} : memref<40x128xf32, #tpu.memory_space<vmem>>, vector<16xf32>,
      tpu.vector_store %arg16[%swap3A_226, %swap3A_227], %broadcast_in_dim3A_4 {strides = array<i32>} : memref<40x128xf32, #tpu.memory_space<vmem>>, vector<16xf32>,
      %swap3A_229 = arith.index_cast %scan3A_199 : i32 to index
      %swap3A_230 = arith.constant 80 : index
      %swap3A_231 = tpu.vector_load %arg15[%swap3A_229, %swap3A_230] {strides = array<i32>} : memref<40x128xf32, #tpu.memory_space<vmem>>, vector<16xf32>,
      tpu.vector_store %arg15[%swap3A_229, %swap3A_230], %broadcast_in_dim3A_4 {strides = array<i32>} : memref<40x128xf32, #tpu.memory_space<vmem>>, vector<16xf32>,
      %swap3A_232 = arith.index_cast %scan3A_199 : i32 to index
      %swap3A_233 = arith.constant 80 : index
      %swap3A_234 = tpu.vector_load %arg16[%swap3A_232, %swap3A_233] {strides = array<i32>} : memref<40x128xf32, #tpu.memory_space<vmem>>, vector<16xf32>,
      tpu.vector_store %arg16[%swap3A_232, %swap3A_233], %broadcast_in_dim3A_4 {strides = array<i32>} : memref<40x128xf32, #tpu.memory_space<vmem>>, vector<16xf32>,
      %swap3A_235 = arith.index_cast %scan3A_199 : i32 to index
      %swap3A_236 = arith.constant 96 : index
      %swap3A_237 = tpu.vector_load %arg15[%swap3A_235, %swap3A_236] {strides = array<i32>} : memref<40x128xf32, #tpu.memory_space<vmem>>, vector<16xf32>,
      tpu.vector_store %arg15[%swap3A_235, %swap3A_236], %broadcast_in_dim3A_4 {strides = array<i32>} : memref<40x128xf32, #tpu.memory_space<vmem>>, vector<16xf32>,
      %swap3A_238 = arith.index_cast %scan3A_199 : i32 to index
      %swap3A_239 = arith.constant 96 : index
      %swap3A_240 = tpu.vector_load %arg16[%swap3A_238, %swap3A_239] {strides = array<i32>} : memref<40x128xf32, #tpu.memory_space<vmem>>, vector<16xf32>,
      tpu.vector_store %arg16[%swap3A_238, %swap3A_239], %broadcast_in_dim3A_4 {strides = array<i32>} : memref<40x128xf32, #tpu.memory_space<vmem>>, vector<16xf32>,
      %swap3A_241 = arith.index_cast %scan3A_199 : i32 to index
      %swap3A_242 = arith.constant 112 : index
      %swap3A_243 = tpu.vector_load %arg15[%swap3A_241, %swap3A_242] {strides = array<i32>} : memref<40x128xf32, #tpu.memory_space<vmem>>, vector<16xf32>,
      tpu.vector_store %arg15[%swap3A_241, %swap3A_242], %broadcast_in_dim3A_4 {strides = array<i32>} : memref<40x128xf32, #tpu.memory_space<vmem>>, vector<16xf32>,
      %swap3A_244 = arith.index_cast %scan3A_199 : i32 to index
      %swap3A_245 = arith.constant 112 : index
      %swap3A_246 = tpu.vector_load %arg16[%swap3A_244, %swap3A_245] {strides = array<i32>} : memref<40x128xf32, #tpu.memory_space<vmem>>, vector<16xf32>,
      tpu.vector_store %arg16[%swap3A_244, %swap3A_245], %broadcast_in_dim3A_4 {strides = array<i32>} : memref<40x128xf32, #tpu.memory_space<vmem>>, vector<16xf32>,
    }
    %scan3A_9 = arith.constant 40 : i32
    %mul3A_10 = arith.constant 640 : i32
    %mul3A_11 = arith.muli %arg1, %mul3A_10 : i32
    %add3A = arith.constant 0 : i32
    %add3A_12 = arith.addi %mul3A_11, %add3A : i32
    "tpu.region"() ({
      %run_scoped3A = tpu.sem_alloc : memref<!tpu.dma_semaphore, #tpu.memory_space<semaphore_mem>>
      %dma_start3A = arith.constant 0 : i32
      %dma_start3A_199 = tpu.memref_slice %arg17[%add3A_12, %dma_start3A] : memref<10240x128xf32, #tpu.memory_space<vmem_shared>> -> memref<40x128xf32, #tpu.memory_space<vmem_shared>>
      %dma_start3A_200 = arith.constant 0 : i32
      %dma_start3A_201 = tpu.memref_slice %arg17[%add3A_12, %dma_start3A_200] : memref<10240x128xf32, #tpu.memory_space<vmem_shared>> -> memref<40x128xf32, #tpu.memory_space<vmem_shared>>
      tpu.enqueue_dma source(%arg15 : memref<40x128xf32, #tpu.memory_space<vmem>>) target(%dma_start3A_201 : memref<40x128xf32, #tpu.memory_space<vmem_shared>>) target_semaphore(%run_scoped3A : memref<!tpu.dma_semaphore, #tpu.memory_space<semaphore_mem>>)
      %dma_wait3A = arith.constant 0 : i32
      %dma_wait3A_202 = tpu.memref_slice %arg17[%add3A_12, %dma_wait3A] : memref<10240x128xf32, #tpu.memory_space<vmem_shared>> -> memref<40x128xf32, #tpu.memory_space<vmem_shared>>
      %dma_wait3A_203 = arith.constant 0 : i32
      %dma_wait3A_204 = tpu.memref_slice %arg17[%add3A_12, %dma_wait3A_203] : memref<10240x128xf32, #tpu.memory_space<vmem_shared>> -> memref<40x128xf32, #tpu.memory_space<vmem_shared>>
      tpu.wait_dma2 semaphore(%run_scoped3A : memref<!tpu.dma_semaphore, #tpu.memory_space<semaphore_mem>>) src(%arg15 : memref<40x128xf32, #tpu.memory_space<vmem>>) dst(%dma_wait3A_204 : memref<40x128xf32, #tpu.memory_space<vmem_shared>>)
      tpu.yield
    }) : () -> ()
    %mul3A_13 = arith.constant 640 : i32
    %mul3A_14 = arith.muli %arg1, %mul3A_13 : i32
    %add3A_15 = arith.constant 40 : i32
    %add3A_16 = arith.addi %mul3A_14, %add3A_15 : i32
    "tpu.region"() ({
      %run_scoped3A = tpu.sem_alloc : memref<!tpu.dma_semaphore, #tpu.memory_space<semaphore_mem>>
      %dma_start3A = arith.constant 0 : i32
      %dma_start3A_199 = tpu.memref_slice %arg17[%add3A_16, %dma_start3A] : memref<10240x128xf32, #tpu.memory_space<vmem_shared>> -> memref<40x128xf32, #tpu.memory_space<vmem_shared>>
      %dma_start3A_200 = arith.constant 0 : i32
      %dma_start3A_201 = tpu.memref_slice %arg17[%add3A_16, %dma_start3A_200] : memref<10240x128xf32, #tpu.memory_space<vmem_shared>> -> memref<40x128xf32, #tpu.memory_space<vmem_shared>>
      tpu.enqueue_dma source(%arg15 : memref<40x128xf32, #tpu.memory_space<vmem>>) target(%dma_start3A_201 : memref<40x128xf32, #tpu.memory_space<vmem_shared>>) target_semaphore(%run_scoped3A : memref<!tpu.dma_semaphore, #tpu.memory_space<semaphore_mem>>)
      %dma_wait3A = arith.constant 0 : i32
      %dma_wait3A_202 = tpu.memref_slice %arg17[%add3A_16, %dma_wait3A] : memref<10240x128xf32, #tpu.memory_space<vmem_shared>> -> memref<40x128xf32, #tpu.memory_space<vmem_shared>>
      %dma_wait3A_203 = arith.constant 0 : i32
      %dma_wait3A_204 = tpu.memref_slice %arg17[%add3A_16, %dma_wait3A_203] : memref<10240x128xf32, #tpu.memory_space<vmem_shared>> -> memref<40x128xf32, #tpu.memory_space<vmem_shared>>
      tpu.wait_dma2 semaphore(%run_scoped3A : memref<!tpu.dma_semaphore, #tpu.memory_space<semaphore_mem>>) src(%arg15 : memref<40x128xf32, #tpu.memory_space<vmem>>) dst(%dma_wait3A_204 : memref<40x128xf32, #tpu.memory_space<vmem_shared>>)
      tpu.yield
    }) : () -> ()
    %mul3A_17 = arith.constant 640 : i32
    %mul3A_18 = arith.muli %arg1, %mul3A_17 : i32
    %add3A_19 = arith.constant 80 : i32
    %add3A_20 = arith.addi %mul3A_18, %add3A_19 : i32
    "tpu.region"() ({
      %run_scoped3A = tpu.sem_alloc : memref<!tpu.dma_semaphore, #tpu.memory_space<semaphore_mem>>
      %dma_start3A = arith.constant 0 : i32
      %dma_start3A_199 = tpu.memref_slice %arg17[%add3A_20, %dma_start3A] : memref<10240x128xf32, #tpu.memory_space<vmem_shared>> -> memref<40x128xf32, #tpu.memory_space<vmem_shared>>
      %dma_start3A_200 = arith.constant 0 : i32
      %dma_start3A_201 = tpu.memref_slice %arg17[%add3A_20, %dma_start3A_200] : memref<10240x128xf32, #tpu.memory_space<vmem_shared>> -> memref<40x128xf32, #tpu.memory_space<vmem_shared>>
      tpu.enqueue_dma source(%arg15 : memref<40x128xf32, #tpu.memory_space<vmem>>) target(%dma_start3A_201 : memref<40x128xf32, #tpu.memory_space<vmem_shared>>) target_semaphore(%run_scoped3A : memref<!tpu.dma_semaphore, #tpu.memory_space<semaphore_mem>>)
      %dma_wait3A = arith.constant 0 : i32
      %dma_wait3A_202 = tpu.memref_slice %arg17[%add3A_20, %dma_wait3A] : memref<10240x128xf32, #tpu.memory_space<vmem_shared>> -> memref<40x128xf32, #tpu.memory_space<vmem_shared>>
      %dma_wait3A_203 = arith.constant 0 : i32
      %dma_wait3A_204 = tpu.memref_slice %arg17[%add3A_20, %dma_wait3A_203] : memref<10240x128xf32, #tpu.memory_space<vmem_shared>> -> memref<40x128xf32, #tpu.memory_space<vmem_shared>>
      tpu.wait_dma2 semaphore(%run_scoped3A : memref<!tpu.dma_semaphore, #tpu.memory_space<semaphore_mem>>) src(%arg15 : memref<40x128xf32, #tpu.memory_space<vmem>>) dst(%dma_wait3A_204 : memref<40x128xf32, #tpu.memory_space<vmem_shared>>)
      tpu.yield
    }) : () -> ()
    %mul3A_21 = arith.constant 640 : i32
    %mul3A_22 = arith.muli %arg1, %mul3A_21 : i32
    %add3A_23 = arith.constant 120 : i32
    %add3A_24 = arith.addi %mul3A_22, %add3A_23 : i32
    "tpu.region"() ({
      %run_scoped3A = tpu.sem_alloc : memref<!tpu.dma_semaphore, #tpu.memory_space<semaphore_mem>>
      %dma_start3A = arith.constant 0 : i32
      %dma_start3A_199 = tpu.memref_slice %arg17[%add3A_24, %dma_start3A] : memref<10240x128xf32, #tpu.memory_space<vmem_shared>> -> memref<40x128xf32, #tpu.memory_space<vmem_shared>>
      %dma_start3A_200 = arith.constant 0 : i32
      %dma_start3A_201 = tpu.memref_slice %arg17[%add3A_24, %dma_start3A_200] : memref<10240x128xf32, #tpu.memory_space<vmem_shared>> -> memref<40x128xf32, #tpu.memory_space<vmem_shared>>
      tpu.enqueue_dma source(%arg15 : memref<40x128xf32, #tpu.memory_space<vmem>>) target(%dma_start3A_201 : memref<40x128xf32, #tpu.memory_space<vmem_shared>>) target_semaphore(%run_scoped3A : memref<!tpu.dma_semaphore, #tpu.memory_space<semaphore_mem>>)
      %dma_wait3A = arith.constant 0 : i32
      %dma_wait3A_202 = tpu.memref_slice %arg17[%add3A_24, %dma_wait3A] : memref<10240x128xf32, #tpu.memory_space<vmem_shared>> -> memref<40x128xf32, #tpu.memory_space<vmem_shared>>
      %dma_wait3A_203 = arith.constant 0 : i32
      %dma_wait3A_204 = tpu.memref_slice %arg17[%add3A_24, %dma_wait3A_203] : memref<10240x128xf32, #tpu.memory_space<vmem_shared>> -> memref<40x128xf32, #tpu.memory_space<vmem_shared>>
      tpu.wait_dma2 semaphore(%run_scoped3A : memref<!tpu.dma_semaphore, #tpu.memory_space<semaphore_mem>>) src(%arg15 : memref<40x128xf32, #tpu.memory_space<vmem>>) dst(%dma_wait3A_204 : memref<40x128xf32, #tpu.memory_space<vmem_shared>>)
      tpu.yield
    }) : () -> ()
    %mul3A_25 = arith.constant 640 : i32
    %mul3A_26 = arith.muli %arg1, %mul3A_25 : i32
    %add3A_27 = arith.constant 160 : i32
    %add3A_28 = arith.addi %mul3A_26, %add3A_27 : i32
    "tpu.region"() ({
      %run_scoped3A = tpu.sem_alloc : memref<!tpu.dma_semaphore, #tpu.memory_space<semaphore_mem>>
      %dma_start3A = arith.constant 0 : i32
      %dma_start3A_199 = tpu.memref_slice %arg17[%add3A_28, %dma_start3A] : memref<10240x128xf32, #tpu.memory_space<vmem_shared>> -> memref<40x128xf32, #tpu.memory_space<vmem_shared>>
      %dma_start3A_200 = arith.constant 0 : i32
      %dma_start3A_201 = tpu.memref_slice %arg17[%add3A_28, %dma_start3A_200] : memref<10240x128xf32, #tpu.memory_space<vmem_shared>> -> memref<40x128xf32, #tpu.memory_space<vmem_shared>>
      tpu.enqueue_dma source(%arg15 : memref<40x128xf32, #tpu.memory_space<vmem>>) target(%dma_start3A_201 : memref<40x128xf32, #tpu.memory_space<vmem_shared>>) target_semaphore(%run_scoped3A : memref<!tpu.dma_semaphore, #tpu.memory_space<semaphore_mem>>)
      %dma_wait3A = arith.constant 0 : i32
      %dma_wait3A_202 = tpu.memref_slice %arg17[%add3A_28, %dma_wait3A] : memref<10240x128xf32, #tpu.memory_space<vmem_shared>> -> memref<40x128xf32, #tpu.memory_space<vmem_shared>>
      %dma_wait3A_203 = arith.constant 0 : i32
      %dma_wait3A_204 = tpu.memref_slice %arg17[%add3A_28, %dma_wait3A_203] : memref<10240x128xf32, #tpu.memory_space<vmem_shared>> -> memref<40x128xf32, #tpu.memory_space<vmem_shared>>
      tpu.wait_dma2 semaphore(%run_scoped3A : memref<!tpu.dma_semaphore, #tpu.memory_space<semaphore_mem>>) src(%arg15 : memref<40x128xf32, #tpu.memory_space<vmem>>) dst(%dma_wait3A_204 : memref<40x128xf32, #tpu.memory_space<vmem_shared>>)
      tpu.yield
    }) : () -> ()
    %mul3A_29 = arith.constant 640 : i32
    %mul3A_30 = arith.muli %arg1, %mul3A_29 : i32
    %add3A_31 = arith.constant 200 : i32
    %add3A_32 = arith.addi %mul3A_30, %add3A_31 : i32
    "tpu.region"() ({
      %run_scoped3A = tpu.sem_alloc : memref<!tpu.dma_semaphore, #tpu.memory_space<semaphore_mem>>
      %dma_start3A = arith.constant 0 : i32
      %dma_start3A_199 = tpu.memref_slice %arg17[%add3A_32, %dma_start3A] : memref<10240x128xf32, #tpu.memory_space<vmem_shared>> -> memref<40x128xf32, #tpu.memory_space<vmem_shared>>
      %dma_start3A_200 = arith.constant 0 : i32
      %dma_start3A_201 = tpu.memref_slice %arg17[%add3A_32, %dma_start3A_200] : memref<10240x128xf32, #tpu.memory_space<vmem_shared>> -> memref<40x128xf32, #tpu.memory_space<vmem_shared>>
      tpu.enqueue_dma source(%arg15 : memref<40x128xf32, #tpu.memory_space<vmem>>) target(%dma_start3A_201 : memref<40x128xf32, #tpu.memory_space<vmem_shared>>) target_semaphore(%run_scoped3A : memref<!tpu.dma_semaphore, #tpu.memory_space<semaphore_mem>>)
      %dma_wait3A = arith.constant 0 : i32
      %dma_wait3A_202 = tpu.memref_slice %arg17[%add3A_32, %dma_wait3A] : memref<10240x128xf32, #tpu.memory_space<vmem_shared>> -> memref<40x128xf32, #tpu.memory_space<vmem_shared>>
      %dma_wait3A_203 = arith.constant 0 : i32
      %dma_wait3A_204 = tpu.memref_slice %arg17[%add3A_32, %dma_wait3A_203] : memref<10240x128xf32, #tpu.memory_space<vmem_shared>> -> memref<40x128xf32, #tpu.memory_space<vmem_shared>>
      tpu.wait_dma2 semaphore(%run_scoped3A : memref<!tpu.dma_semaphore, #tpu.memory_space<semaphore_mem>>) src(%arg15 : memref<40x128xf32, #tpu.memory_space<vmem>>) dst(%dma_wait3A_204 : memref<40x128xf32, #tpu.memory_space<vmem_shared>>)
      tpu.yield
    }) : () -> ()
    %mul3A_33 = arith.constant 640 : i32
    %mul3A_34 = arith.muli %arg1, %mul3A_33 : i32
    %add3A_35 = arith.constant 240 : i32
    %add3A_36 = arith.addi %mul3A_34, %add3A_35 : i32
    "tpu.region"() ({
      %run_scoped3A = tpu.sem_alloc : memref<!tpu.dma_semaphore, #tpu.memory_space<semaphore_mem>>
      %dma_start3A = arith.constant 0 : i32
      %dma_start3A_199 = tpu.memref_slice %arg17[%add3A_36, %dma_start3A] : memref<10240x128xf32, #tpu.memory_space<vmem_shared>> -> memref<40x128xf32, #tpu.memory_space<vmem_shared>>
      %dma_start3A_200 = arith.constant 0 : i32
      %dma_start3A_201 = tpu.memref_slice %arg17[%add3A_36, %dma_start3A_200] : memref<10240x128xf32, #tpu.memory_space<vmem_shared>> -> memref<40x128xf32, #tpu.memory_space<vmem_shared>>
      tpu.enqueue_dma source(%arg15 : memref<40x128xf32, #tpu.memory_space<vmem>>) target(%dma_start3A_201 : memref<40x128xf32, #tpu.memory_space<vmem_shared>>) target_semaphore(%run_scoped3A : memref<!tpu.dma_semaphore, #tpu.memory_space<semaphore_mem>>)
      %dma_wait3A = arith.constant 0 : i32
      %dma_wait3A_202 = tpu.memref_slice %arg17[%add3A_36, %dma_wait3A] : memref<10240x128xf32, #tpu.memory_space<vmem_shared>> -> memref<40x128xf32, #tpu.memory_space<vmem_shared>>
      %dma_wait3A_203 = arith.constant 0 : i32
      %dma_wait3A_204 = tpu.memref_slice %arg17[%add3A_36, %dma_wait3A_203] : memref<10240x128xf32, #tpu.memory_space<vmem_shared>> -> memref<40x128xf32, #tpu.memory_space<vmem_shared>>
      tpu.wait_dma2 semaphore(%run_scoped3A : memref<!tpu.dma_semaphore, #tpu.memory_space<semaphore_mem>>) src(%arg15 : memref<40x128xf32, #tpu.memory_space<vmem>>) dst(%dma_wait3A_204 : memref<40x128xf32, #tpu.memory_space<vmem_shared>>)
      tpu.yield
    }) : () -> ()
    %mul3A_37 = arith.constant 640 : i32
    %mul3A_38 = arith.muli %arg1, %mul3A_37 : i32
    %add3A_39 = arith.constant 280 : i32
    %add3A_40 = arith.addi %mul3A_38, %add3A_39 : i32
    "tpu.region"() ({
      %run_scoped3A = tpu.sem_alloc : memref<!tpu.dma_semaphore, #tpu.memory_space<semaphore_mem>>
      %dma_start3A = arith.constant 0 : i32
      %dma_start3A_199 = tpu.memref_slice %arg17[%add3A_40, %dma_start3A] : memref<10240x128xf32, #tpu.memory_space<vmem_shared>> -> memref<40x128xf32, #tpu.memory_space<vmem_shared>>
      %dma_start3A_200 = arith.constant 0 : i32
      %dma_start3A_201 = tpu.memref_slice %arg17[%add3A_40, %dma_start3A_200] : memref<10240x128xf32, #tpu.memory_space<vmem_shared>> -> memref<40x128xf32, #tpu.memory_space<vmem_shared>>
      tpu.enqueue_dma source(%arg15 : memref<40x128xf32, #tpu.memory_space<vmem>>) target(%dma_start3A_201 : memref<40x128xf32, #tpu.memory_space<vmem_shared>>) target_semaphore(%run_scoped3A : memref<!tpu.dma_semaphore, #tpu.memory_space<semaphore_mem>>)
      %dma_wait3A = arith.constant 0 : i32
      %dma_wait3A_202 = tpu.memref_slice %arg17[%add3A_40, %dma_wait3A] : memref<10240x128xf32, #tpu.memory_space<vmem_shared>> -> memref<40x128xf32, #tpu.memory_space<vmem_shared>>
      %dma_wait3A_203 = arith.constant 0 : i32
      %dma_wait3A_204 = tpu.memref_slice %arg17[%add3A_40, %dma_wait3A_203] : memref<10240x128xf32, #tpu.memory_space<vmem_shared>> -> memref<40x128xf32, #tpu.memory_space<vmem_shared>>
      tpu.wait_dma2 semaphore(%run_scoped3A : memref<!tpu.dma_semaphore, #tpu.memory_space<semaphore_mem>>) src(%arg15 : memref<40x128xf32, #tpu.memory_space<vmem>>) dst(%dma_wait3A_204 : memref<40x128xf32, #tpu.memory_space<vmem_shared>>)
      tpu.yield
    }) : () -> ()
    %mul3A_41 = arith.constant 640 : i32
    %mul3A_42 = arith.muli %arg1, %mul3A_41 : i32
    %add3A_43 = arith.constant 320 : i32
    %add3A_44 = arith.addi %mul3A_42, %add3A_43 : i32
    "tpu.region"() ({
      %run_scoped3A = tpu.sem_alloc : memref<!tpu.dma_semaphore, #tpu.memory_space<semaphore_mem>>
      %dma_start3A = arith.constant 0 : i32
      %dma_start3A_199 = tpu.memref_slice %arg17[%add3A_44, %dma_start3A] : memref<10240x128xf32, #tpu.memory_space<vmem_shared>> -> memref<40x128xf32, #tpu.memory_space<vmem_shared>>
      %dma_start3A_200 = arith.constant 0 : i32
      %dma_start3A_201 = tpu.memref_slice %arg17[%add3A_44, %dma_start3A_200] : memref<10240x128xf32, #tpu.memory_space<vmem_shared>> -> memref<40x128xf32, #tpu.memory_space<vmem_shared>>
      tpu.enqueue_dma source(%arg15 : memref<40x128xf32, #tpu.memory_space<vmem>>) target(%dma_start3A_201 : memref<40x128xf32, #tpu.memory_space<vmem_shared>>) target_semaphore(%run_scoped3A : memref<!tpu.dma_semaphore, #tpu.memory_space<semaphore_mem>>)
      %dma_wait3A = arith.constant 0 : i32
      %dma_wait3A_202 = tpu.memref_slice %arg17[%add3A_44, %dma_wait3A] : memref<10240x128xf32, #tpu.memory_space<vmem_shared>> -> memref<40x128xf32, #tpu.memory_space<vmem_shared>>
      %dma_wait3A_203 = arith.constant 0 : i32
      %dma_wait3A_204 = tpu.memref_slice %arg17[%add3A_44, %dma_wait3A_203] : memref<10240x128xf32, #tpu.memory_space<vmem_shared>> -> memref<40x128xf32, #tpu.memory_space<vmem_shared>>
      tpu.wait_dma2 semaphore(%run_scoped3A : memref<!tpu.dma_semaphore, #tpu.memory_space<semaphore_mem>>) src(%arg15 : memref<40x128xf32, #tpu.memory_space<vmem>>) dst(%dma_wait3A_204 : memref<40x128xf32, #tpu.memory_space<vmem_shared>>)
      tpu.yield
    }) : () -> ()
    %mul3A_45 = arith.constant 640 : i32
    %mul3A_46 = arith.muli %arg1, %mul3A_45 : i32
    %add3A_47 = arith.constant 360 : i32
    %add3A_48 = arith.addi %mul3A_46, %add3A_47 : i32
    "tpu.region"() ({
      %run_scoped3A = tpu.sem_alloc : memref<!tpu.dma_semaphore, #tpu.memory_space<semaphore_mem>>
      %dma_start3A = arith.constant 0 : i32
      %dma_start3A_199 = tpu.memref_slice %arg17[%add3A_48, %dma_start3A] : memref<10240x128xf32, #tpu.memory_space<vmem_shared>> -> memref<40x128xf32, #tpu.memory_space<vmem_shared>>
      %dma_start3A_200 = arith.constant 0 : i32
      %dma_start3A_201 = tpu.memref_slice %arg17[%add3A_48, %dma_start3A_200] : memref<10240x128xf32, #tpu.memory_space<vmem_shared>> -> memref<40x128xf32, #tpu.memory_space<vmem_shared>>
      tpu.enqueue_dma source(%arg15 : memref<40x128xf32, #tpu.memory_space<vmem>>) target(%dma_start3A_201 : memref<40x128xf32, #tpu.memory_space<vmem_shared>>) target_semaphore(%run_scoped3A : memref<!tpu.dma_semaphore, #tpu.memory_space<semaphore_mem>>)
      %dma_wait3A = arith.constant 0 : i32
      %dma_wait3A_202 = tpu.memref_slice %arg17[%add3A_48, %dma_wait3A] : memref<10240x128xf32, #tpu.memory_space<vmem_shared>> -> memref<40x128xf32, #tpu.memory_space<vmem_shared>>
      %dma_wait3A_203 = arith.constant 0 : i32
      %dma_wait3A_204 = tpu.memref_slice %arg17[%add3A_48, %dma_wait3A_203] : memref<10240x128xf32, #tpu.memory_space<vmem_shared>> -> memref<40x128xf32, #tpu.memory_space<vmem_shared>>
      tpu.wait_dma2 semaphore(%run_scoped3A : memref<!tpu.dma_semaphore, #tpu.memory_space<semaphore_mem>>) src(%arg15 : memref<40x128xf32, #tpu.memory_space<vmem>>) dst(%dma_wait3A_204 : memref<40x128xf32, #tpu.memory_space<vmem_shared>>)
      tpu.yield
    }) : () -> ()
    %mul3A_49 = arith.constant 640 : i32
    %mul3A_50 = arith.muli %arg1, %mul3A_49 : i32
    %add3A_51 = arith.constant 400 : i32
    %add3A_52 = arith.addi %mul3A_50, %add3A_51 : i32
    "tpu.region"() ({
      %run_scoped3A = tpu.sem_alloc : memref<!tpu.dma_semaphore, #tpu.memory_space<semaphore_mem>>
      %dma_start3A = arith.constant 0 : i32
      %dma_start3A_199 = tpu.memref_slice %arg17[%add3A_52, %dma_start3A] : memref<10240x128xf32, #tpu.memory_space<vmem_shared>> -> memref<40x128xf32, #tpu.memory_space<vmem_shared>>
      %dma_start3A_200 = arith.constant 0 : i32
      %dma_start3A_201 = tpu.memref_slice %arg17[%add3A_52, %dma_start3A_200] : memref<10240x128xf32, #tpu.memory_space<vmem_shared>> -> memref<40x128xf32, #tpu.memory_space<vmem_shared>>
      tpu.enqueue_dma source(%arg15 : memref<40x128xf32, #tpu.memory_space<vmem>>) target(%dma_start3A_201 : memref<40x128xf32, #tpu.memory_space<vmem_shared>>) target_semaphore(%run_scoped3A : memref<!tpu.dma_semaphore, #tpu.memory_space<semaphore_mem>>)
      %dma_wait3A = arith.constant 0 : i32
      %dma_wait3A_202 = tpu.memref_slice %arg17[%add3A_52, %dma_wait3A] : memref<10240x128xf32, #tpu.memory_space<vmem_shared>> -> memref<40x128xf32, #tpu.memory_space<vmem_shared>>
      %dma_wait3A_203 = arith.constant 0 : i32
      %dma_wait3A_204 = tpu.memref_slice %arg17[%add3A_52, %dma_wait3A_203] : memref<10240x128xf32, #tpu.memory_space<vmem_shared>> -> memref<40x128xf32, #tpu.memory_space<vmem_shared>>
      tpu.wait_dma2 semaphore(%run_scoped3A : memref<!tpu.dma_semaphore, #tpu.memory_space<semaphore_mem>>) src(%arg15 : memref<40x128xf32, #tpu.memory_space<vmem>>) dst(%dma_wait3A_204 : memref<40x128xf32, #tpu.memory_space<vmem_shared>>)
      tpu.yield
    }) : () -> ()
    %mul3A_53 = arith.constant 640 : i32
    %mul3A_54 = arith.muli %arg1, %mul3A_53 : i32
    %add3A_55 = arith.constant 440 : i32
    %add3A_56 = arith.addi %mul3A_54, %add3A_55 : i32
    "tpu.region"() ({
      %run_scoped3A = tpu.sem_alloc : memref<!tpu.dma_semaphore, #tpu.memory_space<semaphore_mem>>
      %dma_start3A = arith.constant 0 : i32
      %dma_start3A_199 = tpu.memref_slice %arg17[%add3A_56, %dma_start3A] : memref<10240x128xf32, #tpu.memory_space<vmem_shared>> -> memref<40x128xf32, #tpu.memory_space<vmem_shared>>
      %dma_start3A_200 = arith.constant 0 : i32
      %dma_start3A_201 = tpu.memref_slice %arg17[%add3A_56, %dma_start3A_200] : memref<10240x128xf32, #tpu.memory_space<vmem_shared>> -> memref<40x128xf32, #tpu.memory_space<vmem_shared>>
      tpu.enqueue_dma source(%arg15 : memref<40x128xf32, #tpu.memory_space<vmem>>) target(%dma_start3A_201 : memref<40x128xf32, #tpu.memory_space<vmem_shared>>) target_semaphore(%run_scoped3A : memref<!tpu.dma_semaphore, #tpu.memory_space<semaphore_mem>>)
      %dma_wait3A = arith.constant 0 : i32
      %dma_wait3A_202 = tpu.memref_slice %arg17[%add3A_56, %dma_wait3A] : memref<10240x128xf32, #tpu.memory_space<vmem_shared>> -> memref<40x128xf32, #tpu.memory_space<vmem_shared>>
      %dma_wait3A_203 = arith.constant 0 : i32
      %dma_wait3A_204 = tpu.memref_slice %arg17[%add3A_56, %dma_wait3A_203] : memref<10240x128xf32, #tpu.memory_space<vmem_shared>> -> memref<40x128xf32, #tpu.memory_space<vmem_shared>>
      tpu.wait_dma2 semaphore(%run_scoped3A : memref<!tpu.dma_semaphore, #tpu.memory_space<semaphore_mem>>) src(%arg15 : memref<40x128xf32, #tpu.memory_space<vmem>>) dst(%dma_wait3A_204 : memref<40x128xf32, #tpu.memory_space<vmem_shared>>)
      tpu.yield
    }) : () -> ()
    %mul3A_57 = arith.constant 640 : i32
    %mul3A_58 = arith.muli %arg1, %mul3A_57 : i32
    %add3A_59 = arith.constant 480 : i32
    %add3A_60 = arith.addi %mul3A_58, %add3A_59 : i32
    "tpu.region"() ({
      %run_scoped3A = tpu.sem_alloc : memref<!tpu.dma_semaphore, #tpu.memory_space<semaphore_mem>>
      %dma_start3A = arith.constant 0 : i32
      %dma_start3A_199 = tpu.memref_slice %arg17[%add3A_60, %dma_start3A] : memref<10240x128xf32, #tpu.memory_space<vmem_shared>> -> memref<40x128xf32, #tpu.memory_space<vmem_shared>>
      %dma_start3A_200 = arith.constant 0 : i32
      %dma_start3A_201 = tpu.memref_slice %arg17[%add3A_60, %dma_start3A_200] : memref<10240x128xf32, #tpu.memory_space<vmem_shared>> -> memref<40x128xf32, #tpu.memory_space<vmem_shared>>
      tpu.enqueue_dma source(%arg15 : memref<40x128xf32, #tpu.memory_space<vmem>>) target(%dma_start3A_201 : memref<40x128xf32, #tpu.memory_space<vmem_shared>>) target_semaphore(%run_scoped3A : memref<!tpu.dma_semaphore, #tpu.memory_space<semaphore_mem>>)
      %dma_wait3A = arith.constant 0 : i32
      %dma_wait3A_202 = tpu.memref_slice %arg17[%add3A_60, %dma_wait3A] : memref<10240x128xf32, #tpu.memory_space<vmem_shared>> -> memref<40x128xf32, #tpu.memory_space<vmem_shared>>
      %dma_wait3A_203 = arith.constant 0 : i32
      %dma_wait3A_204 = tpu.memref_slice %arg17[%add3A_60, %dma_wait3A_203] : memref<10240x128xf32, #tpu.memory_space<vmem_shared>> -> memref<40x128xf32, #tpu.memory_space<vmem_shared>>
      tpu.wait_dma2 semaphore(%run_scoped3A : memref<!tpu.dma_semaphore, #tpu.memory_space<semaphore_mem>>) src(%arg15 : memref<40x128xf32, #tpu.memory_space<vmem>>) dst(%dma_wait3A_204 : memref<40x128xf32, #tpu.memory_space<vmem_shared>>)
      tpu.yield
    }) : () -> ()
    %mul3A_61 = arith.constant 640 : i32
    %mul3A_62 = arith.muli %arg1, %mul3A_61 : i32
    %add3A_63 = arith.constant 520 : i32
    %add3A_64 = arith.addi %mul3A_62, %add3A_63 : i32
    "tpu.region"() ({
      %run_scoped3A = tpu.sem_alloc : memref<!tpu.dma_semaphore, #tpu.memory_space<semaphore_mem>>
      %dma_start3A = arith.constant 0 : i32
      %dma_start3A_199 = tpu.memref_slice %arg17[%add3A_64, %dma_start3A] : memref<10240x128xf32, #tpu.memory_space<vmem_shared>> -> memref<40x128xf32, #tpu.memory_space<vmem_shared>>
      %dma_start3A_200 = arith.constant 0 : i32
      %dma_start3A_201 = tpu.memref_slice %arg17[%add3A_64, %dma_start3A_200] : memref<10240x128xf32, #tpu.memory_space<vmem_shared>> -> memref<40x128xf32, #tpu.memory_space<vmem_shared>>
      tpu.enqueue_dma source(%arg15 : memref<40x128xf32, #tpu.memory_space<vmem>>) target(%dma_start3A_201 : memref<40x128xf32, #tpu.memory_space<vmem_shared>>) target_semaphore(%run_scoped3A : memref<!tpu.dma_semaphore, #tpu.memory_space<semaphore_mem>>)
      %dma_wait3A = arith.constant 0 : i32
      %dma_wait3A_202 = tpu.memref_slice %arg17[%add3A_64, %dma_wait3A] : memref<10240x128xf32, #tpu.memory_space<vmem_shared>> -> memref<40x128xf32, #tpu.memory_space<vmem_shared>>
      %dma_wait3A_203 = arith.constant 0 : i32
      %dma_wait3A_204 = tpu.memref_slice %arg17[%add3A_64, %dma_wait3A_203] : memref<10240x128xf32, #tpu.memory_space<vmem_shared>> -> memref<40x128xf32, #tpu.memory_space<vmem_shared>>
      tpu.wait_dma2 semaphore(%run_scoped3A : memref<!tpu.dma_semaphore, #tpu.memory_space<semaphore_mem>>) src(%arg15 : memref<40x128xf32, #tpu.memory_space<vmem>>) dst(%dma_wait3A_204 : memref<40x128xf32, #tpu.memory_space<vmem_shared>>)
      tpu.yield
    }) : () -> ()
    %mul3A_65 = arith.constant 640 : i32
    %mul3A_66 = arith.muli %arg1, %mul3A_65 : i32
    %add3A_67 = arith.constant 560 : i32
    %add3A_68 = arith.addi %mul3A_66, %add3A_67 : i32
    "tpu.region"() ({
      %run_scoped3A = tpu.sem_alloc : memref<!tpu.dma_semaphore, #tpu.memory_space<semaphore_mem>>
      %dma_start3A = arith.constant 0 : i32
      %dma_start3A_199 = tpu.memref_slice %arg17[%add3A_68, %dma_start3A] : memref<10240x128xf32, #tpu.memory_space<vmem_shared>> -> memref<40x128xf32, #tpu.memory_space<vmem_shared>>
      %dma_start3A_200 = arith.constant 0 : i32
      %dma_start3A_201 = tpu.memref_slice %arg17[%add3A_68, %dma_start3A_200] : memref<10240x128xf32, #tpu.memory_space<vmem_shared>> -> memref<40x128xf32, #tpu.memory_space<vmem_shared>>
      tpu.enqueue_dma source(%arg15 : memref<40x128xf32, #tpu.memory_space<vmem>>) target(%dma_start3A_201 : memref<40x128xf32, #tpu.memory_space<vmem_shared>>) target_semaphore(%run_scoped3A : memref<!tpu.dma_semaphore, #tpu.memory_space<semaphore_mem>>)
      %dma_wait3A = arith.constant 0 : i32
      %dma_wait3A_202 = tpu.memref_slice %arg17[%add3A_68, %dma_wait3A] : memref<10240x128xf32, #tpu.memory_space<vmem_shared>> -> memref<40x128xf32, #tpu.memory_space<vmem_shared>>
      %dma_wait3A_203 = arith.constant 0 : i32
      %dma_wait3A_204 = tpu.memref_slice %arg17[%add3A_68, %dma_wait3A_203] : memref<10240x128xf32, #tpu.memory_space<vmem_shared>> -> memref<40x128xf32, #tpu.memory_space<vmem_shared>>
      tpu.wait_dma2 semaphore(%run_scoped3A : memref<!tpu.dma_semaphore, #tpu.memory_space<semaphore_mem>>) src(%arg15 : memref<40x128xf32, #tpu.memory_space<vmem>>) dst(%dma_wait3A_204 : memref<40x128xf32, #tpu.memory_space<vmem_shared>>)
      tpu.yield
    }) : () -> ()
    %mul3A_69 = arith.constant 640 : i32
    %mul3A_70 = arith.muli %arg1, %mul3A_69 : i32
    %add3A_71 = arith.constant 600 : i32
    %add3A_72 = arith.addi %mul3A_70, %add3A_71 : i32
    "tpu.region"() ({
      %run_scoped3A = tpu.sem_alloc : memref<!tpu.dma_semaphore, #tpu.memory_space<semaphore_mem>>
      %dma_start3A = arith.constant 0 : i32
      %dma_start3A_199 = tpu.memref_slice %arg17[%add3A_72, %dma_start3A] : memref<10240x128xf32, #tpu.memory_space<vmem_shared>> -> memref<40x128xf32, #tpu.memory_space<vmem_shared>>
      %dma_start3A_200 = arith.constant 0 : i32
      %dma_start3A_201 = tpu.memref_slice %arg17[%add3A_72, %dma_start3A_200] : memref<10240x128xf32, #tpu.memory_space<vmem_shared>> -> memref<40x128xf32, #tpu.memory_space<vmem_shared>>
      tpu.enqueue_dma source(%arg15 : memref<40x128xf32, #tpu.memory_space<vmem>>) target(%dma_start3A_201 : memref<40x128xf32, #tpu.memory_space<vmem_shared>>) target_semaphore(%run_scoped3A : memref<!tpu.dma_semaphore, #tpu.memory_space<semaphore_mem>>)
      %dma_wait3A = arith.constant 0 : i32
      %dma_wait3A_202 = tpu.memref_slice %arg17[%add3A_72, %dma_wait3A] : memref<10240x128xf32, #tpu.memory_space<vmem_shared>> -> memref<40x128xf32, #tpu.memory_space<vmem_shared>>
      %dma_wait3A_203 = arith.constant 0 : i32
      %dma_wait3A_204 = tpu.memref_slice %arg17[%add3A_72, %dma_wait3A_203] : memref<10240x128xf32, #tpu.memory_space<vmem_shared>> -> memref<40x128xf32, #tpu.memory_space<vmem_shared>>
      tpu.wait_dma2 semaphore(%run_scoped3A : memref<!tpu.dma_semaphore, #tpu.memory_space<semaphore_mem>>) src(%arg15 : memref<40x128xf32, #tpu.memory_space<vmem>>) dst(%dma_wait3A_204 : memref<40x128xf32, #tpu.memory_space<vmem_shared>>)
      tpu.yield
    }) : () -> ()
    %mul3A_73 = arith.constant 40 : i32
    %mul3A_74 = arith.muli %arg1, %mul3A_73 : i32
    "tpu.region"() ({
      %run_scoped3A = tpu.sem_alloc : memref<!tpu.dma_semaphore, #tpu.memory_space<semaphore_mem>>
      %dma_start3A = arith.constant 0 : i32
      %dma_start3A_199 = tpu.memref_slice %arg18[%mul3A_74, %dma_start3A] : memref<640x128xf32, #tpu.memory_space<vmem_shared>> -> memref<40x128xf32, #tpu.memory_space<vmem_shared>>
      %dma_start3A_200 = arith.constant 0 : i32
      %dma_start3A_201 = tpu.memref_slice %arg18[%mul3A_74, %dma_start3A_200] : memref<640x128xf32, #tpu.memory_space<vmem_shared>> -> memref<40x128xf32, #tpu.memory_space<vmem_shared>>
      tpu.enqueue_dma source(%arg16 : memref<40x128xf32, #tpu.memory_space<vmem>>) target(%dma_start3A_201 : memref<40x128xf32, #tpu.memory_space<vmem_shared>>) target_semaphore(%run_scoped3A : memref<!tpu.dma_semaphore, #tpu.memory_space<semaphore_mem>>)
      %dma_wait3A = arith.constant 0 : i32
      %dma_wait3A_202 = tpu.memref_slice %arg18[%mul3A_74, %dma_wait3A] : memref<640x128xf32, #tpu.memory_space<vmem_shared>> -> memref<40x128xf32, #tpu.memory_space<vmem_shared>>
      %dma_wait3A_203 = arith.constant 0 : i32
      %dma_wait3A_204 = tpu.memref_slice %arg18[%mul3A_74, %dma_wait3A_203] : memref<640x128xf32, #tpu.memory_space<vmem_shared>> -> memref<40x128xf32, #tpu.memory_space<vmem_shared>>
      tpu.wait_dma2 semaphore(%run_scoped3A : memref<!tpu.dma_semaphore, #tpu.memory_space<semaphore_mem>>) src(%arg16 : memref<40x128xf32, #tpu.memory_space<vmem>>) dst(%dma_wait3A_204 : memref<40x128xf32, #tpu.memory_space<vmem_shared>>)
      tpu.yield
    }) : () -> ()
    %barrier3A = arith.constant 0 : index
    tpu.barrier barrier_id(%barrier3A)
    %scan3A_75 = arith.constant 0 : i32
    %scan3A_76 = arith.constant 0 : i32
    %scan3A_77 = arith.constant 250 : i32
    %scan3A_78 = arith.addi %scan3A_76, %scan3A_77 : i32
    %scan3A_79 = arith.constant 1 : i32
    scf.for %scan3A_199 = %scan3A_76 to %scan3A_78 step %scan3A_79  : i32 {
      %mul3A_200 = arith.constant 10000 : i32
      %mul3A_201 = arith.muli %arg1, %mul3A_200 : i32
      %mul3A_202 = arith.constant 40 : i32
      %mul3A_203 = arith.muli %scan3A_199, %mul3A_202 : i32
      %add3A_204 = arith.addi %mul3A_201, %mul3A_203 : i32
      %mul3A_205 = arith.constant 16 : i32
      %mul3A_206 = arith.muli %arg0, %mul3A_205 : i32
      %add3A_207 = arith.addi %mul3A_206, %arg1 : i32
      %mul3A_208 = arith.constant 250 : i32
      %mul3A_209 = arith.muli %add3A_207, %mul3A_208 : i32
      %add3A_210 = arith.addi %mul3A_209, %scan3A_199 : i32
      "tpu.region"() ({
        %run_scoped3A_302 = tpu.sem_alloc : memref<!tpu.dma_semaphore, #tpu.memory_space<semaphore_mem>>
        %dma_start3A_303 = arith.constant 0 : i32
        %dma_start3A_304 = arith.constant 0 : i32
        %dma_start3A_305 = tpu.memref_slice %arg5[%add3A_210, %dma_start3A_303, %dma_start3A_304] : memref<8000x2x40xi32, #tpu.memory_space<hbm>> -> memref<1x2x40xi32, #tpu.memory_space<hbm>>
        %dma_start3A_306 = tpu.memref_squeeze %dma_start3A_305 : memref<1x2x40xi32, #tpu.memory_space<hbm>> -> memref<2x40xi32, #tpu.memory_space<hbm>>
        %dma_start3A_307 = arith.constant 0 : i32
        %dma_start3A_308 = arith.constant 0 : i32
        %dma_start3A_309 = tpu.memref_slice %arg5[%add3A_210, %dma_start3A_307, %dma_start3A_308] : memref<8000x2x40xi32, #tpu.memory_space<hbm>> -> memref<1x2x40xi32, #tpu.memory_space<hbm>>
        %dma_start3A_310 = tpu.memref_squeeze %dma_start3A_309 : memref<1x2x40xi32, #tpu.memory_space<hbm>> -> memref<2x40xi32, #tpu.memory_space<hbm>>
        tpu.enqueue_dma source(%dma_start3A_310 : memref<2x40xi32, #tpu.memory_space<hbm>>) target(%arg8 : memref<2x40xi32, #tpu.memory_space<vmem>>) target_semaphore(%run_scoped3A_302 : memref<!tpu.dma_semaphore, #tpu.memory_space<semaphore_mem>>)
        %dma_wait3A_311 = arith.constant 0 : i32
        %dma_wait3A_312 = arith.constant 0 : i32
        %dma_wait3A_313 = tpu.memref_slice %arg5[%add3A_210, %dma_wait3A_311, %dma_wait3A_312] : memref<8000x2x40xi32, #tpu.memory_space<hbm>> -> memref<1x2x40xi32, #tpu.memory_space<hbm>>
        %dma_wait3A_314 = tpu.memref_squeeze %dma_wait3A_313 : memref<1x2x40xi32, #tpu.memory_space<hbm>> -> memref<2x40xi32, #tpu.memory_space<hbm>>
        %dma_wait3A_315 = arith.constant 0 : i32
        %dma_wait3A_316 = arith.constant 0 : i32
        %dma_wait3A_317 = tpu.memref_slice %arg5[%add3A_210, %dma_wait3A_315, %dma_wait3A_316] : memref<8000x2x40xi32, #tpu.memory_space<hbm>> -> memref<1x2x40xi32, #tpu.memory_space<hbm>>
        %dma_wait3A_318 = tpu.memref_squeeze %dma_wait3A_317 : memref<1x2x40xi32, #tpu.memory_space<hbm>> -> memref<2x40xi32, #tpu.memory_space<hbm>>
        tpu.wait_dma2 semaphore(%run_scoped3A_302 : memref<!tpu.dma_semaphore, #tpu.memory_space<semaphore_mem>>) src(%dma_wait3A_318 : memref<2x40xi32, #tpu.memory_space<hbm>>) dst(%arg8 : memref<2x40xi32, #tpu.memory_space<vmem>>)
        tpu.yield
      }) : () -> ()
      %get3A = arith.constant 0 : i32
      %get3A_211 = arith.index_cast %get3A : i32 to index
      %get3A_212 = arith.constant 0 : index
      %get3A_213 = tpu.vector_load %arg8[%get3A_211, %get3A_212] {strides = array<i32>} : memref<2x40xi32, #tpu.memory_space<vmem>>, vector<16xi32>,
      %add3A_214 = vector.broadcast %mul3A_0 : i32 to vector<16xi32>
      %add3A_215 = arith.addi %get3A_213, %add3A_214 : vector<16xi32>
      %swap3A = arith.constant 0 : index
      %swap3A_216 = tpu.vector_load %arg9[%swap3A] {strides = array<i32>} : memref<40xi32, #tpu.memory_space<vmem>>, vector<16xi32>,
      tpu.vector_store %arg9[%swap3A], %add3A_215 {strides = array<i32>} : memref<40xi32, #tpu.memory_space<vmem>>, vector<16xi32>,
      %shift_right_arithmetic3A = arith.constant 4 : i32
      %shift_right_arithmetic3A_217 = vector.broadcast %shift_right_arithmetic3A : i32 to vector<16xi32>
      %shift_right_arithmetic3A_218 = arith.shrsi %get3A_213, %shift_right_arithmetic3A_217 : vector<16xi32>
      %swap3A_219 = arith.constant 0 : index
      %swap3A_220 = tpu.vector_load %arg11[%swap3A_219] {strides = array<i32>} : memref<40xi32, #tpu.memory_space<vmem>>, vector<16xi32>,
      tpu.vector_store %arg11[%swap3A_219], %shift_right_arithmetic3A_218 {strides = array<i32>} : memref<40xi32, #tpu.memory_space<vmem>>, vector<16xi32>,
      %get3A_221 = arith.constant 1 : i32
      %get3A_222 = arith.index_cast %get3A_221 : i32 to index
      %get3A_223 = arith.constant 0 : index
      %get3A_224 = tpu.vector_load %arg8[%get3A_222, %get3A_223] {strides = array<i32>} : memref<2x40xi32, #tpu.memory_space<vmem>>, vector<16xi32>,
      %add3A_225 = vector.broadcast %mul3A_3 : i32 to vector<16xi32>
      %add3A_226 = arith.addi %get3A_224, %add3A_225 : vector<16xi32>
      %swap3A_227 = arith.constant 0 : index
      %swap3A_228 = tpu.vector_load %arg10[%swap3A_227] {strides = array<i32>} : memref<40xi32, #tpu.memory_space<vmem>>, vector<16xi32>,
      tpu.vector_store %arg10[%swap3A_227], %add3A_226 {strides = array<i32>} : memref<40xi32, #tpu.memory_space<vmem>>, vector<16xi32>,
      %get3A_229 = arith.constant 0 : i32
      %get3A_230 = arith.index_cast %get3A_229 : i32 to index
      %get3A_231 = arith.constant 16 : index
      %get3A_232 = tpu.vector_load %arg8[%get3A_230, %get3A_231] {strides = array<i32>} : memref<2x40xi32, #tpu.memory_space<vmem>>, vector<16xi32>,
      %add3A_233 = vector.broadcast %mul3A_0 : i32 to vector<16xi32>
      %add3A_234 = arith.addi %get3A_232, %add3A_233 : vector<16xi32>
      %swap3A_235 = arith.constant 16 : index
      %swap3A_236 = tpu.vector_load %arg9[%swap3A_235] {strides = array<i32>} : memref<40xi32, #tpu.memory_space<vmem>>, vector<16xi32>,
      tpu.vector_store %arg9[%swap3A_235], %add3A_234 {strides = array<i32>} : memref<40xi32, #tpu.memory_space<vmem>>, vector<16xi32>,
      %shift_right_arithmetic3A_237 = arith.constant 4 : i32
      %shift_right_arithmetic3A_238 = vector.broadcast %shift_right_arithmetic3A_237 : i32 to vector<16xi32>
      %shift_right_arithmetic3A_239 = arith.shrsi %get3A_232, %shift_right_arithmetic3A_238 : vector<16xi32>
      %swap3A_240 = arith.constant 16 : index
      %swap3A_241 = tpu.vector_load %arg11[%swap3A_240] {strides = array<i32>} : memref<40xi32, #tpu.memory_space<vmem>>, vector<16xi32>,
      tpu.vector_store %arg11[%swap3A_240], %shift_right_arithmetic3A_239 {strides = array<i32>} : memref<40xi32, #tpu.memory_space<vmem>>, vector<16xi32>,
      %get3A_242 = arith.constant 1 : i32
      %get3A_243 = arith.index_cast %get3A_242 : i32 to index
      %get3A_244 = arith.constant 16 : index
      %get3A_245 = tpu.vector_load %arg8[%get3A_243, %get3A_244] {strides = array<i32>} : memref<2x40xi32, #tpu.memory_space<vmem>>, vector<16xi32>,
      %add3A_246 = vector.broadcast %mul3A_3 : i32 to vector<16xi32>
      %add3A_247 = arith.addi %get3A_245, %add3A_246 : vector<16xi32>
      %swap3A_248 = arith.constant 16 : index
      %swap3A_249 = tpu.vector_load %arg10[%swap3A_248] {strides = array<i32>} : memref<40xi32, #tpu.memory_space<vmem>>, vector<16xi32>,
      tpu.vector_store %arg10[%swap3A_248], %add3A_247 {strides = array<i32>} : memref<40xi32, #tpu.memory_space<vmem>>, vector<16xi32>,
      %get3A_250 = arith.constant 0 : i32
      %get3A_251 = arith.index_cast %get3A_250 : i32 to index
      %get3A_252 = arith.constant 24 : index
      %get3A_253 = tpu.vector_load %arg8[%get3A_251, %get3A_252] {strides = array<i32>} : memref<2x40xi32, #tpu.memory_space<vmem>>, vector<16xi32>,
      %add3A_254 = vector.broadcast %mul3A_0 : i32 to vector<16xi32>
      %add3A_255 = arith.addi %get3A_253, %add3A_254 : vector<16xi32>
      %swap3A_256 = arith.constant 24 : index
      %swap3A_257 = tpu.vector_load %arg9[%swap3A_256] {strides = array<i32>} : memref<40xi32, #tpu.memory_space<vmem>>, vector<16xi32>,
      tpu.vector_store %arg9[%swap3A_256], %add3A_255 {strides = array<i32>} : memref<40xi32, #tpu.memory_space<vmem>>, vector<16xi32>,
      %shift_right_arithmetic3A_258 = arith.constant 4 : i32
      %shift_right_arithmetic3A_259 = vector.broadcast %shift_right_arithmetic3A_258 : i32 to vector<16xi32>
      %shift_right_arithmetic3A_260 = arith.shrsi %get3A_253, %shift_right_arithmetic3A_259 : vector<16xi32>
      %swap3A_261 = arith.constant 24 : index
      %swap3A_262 = tpu.vector_load %arg11[%swap3A_261] {strides = array<i32>} : memref<40xi32, #tpu.memory_space<vmem>>, vector<16xi32>,
      tpu.vector_store %arg11[%swap3A_261], %shift_right_arithmetic3A_260 {strides = array<i32>} : memref<40xi32, #tpu.memory_space<vmem>>, vector<16xi32>,
      %get3A_263 = arith.constant 1 : i32
      %get3A_264 = arith.index_cast %get3A_263 : i32 to index
      %get3A_265 = arith.constant 24 : index
      %get3A_266 = tpu.vector_load %arg8[%get3A_264, %get3A_265] {strides = array<i32>} : memref<2x40xi32, #tpu.memory_space<vmem>>, vector<16xi32>,
      %add3A_267 = vector.broadcast %mul3A_3 : i32 to vector<16xi32>
      %add3A_268 = arith.addi %get3A_266, %add3A_267 : vector<16xi32>
      %swap3A_269 = arith.constant 24 : index
      %swap3A_270 = tpu.vector_load %arg10[%swap3A_269] {strides = array<i32>} : memref<40xi32, #tpu.memory_space<vmem>>, vector<16xi32>,
      tpu.vector_store %arg10[%swap3A_269], %add3A_268 {strides = array<i32>} : memref<40xi32, #tpu.memory_space<vmem>>, vector<16xi32>,
      %dma_start3A = arith.constant 0 : i32
      %dma_start3A_271 = arith.constant 0 : i32
      %dma_start3A_272 = tpu.memref_slice %arg2[%dma_start3A, %dma_start3A_271] : memref<20000x128xf32, #tpu.memory_space<hbm>> -> memref<20000x128xf32, #tpu.memory_space<hbm>>
      tpu.enqueue_indirect_dma source(%dma_start3A_272 : memref<20000x128xf32, #tpu.memory_space<hbm>>) target(%arg12 : memref<40x128xf32, #tpu.memory_space<vmem>>) offsets(%arg9 : memref<40xi32, #tpu.memory_space<vmem>>) semaphore(%arg19 : memref<!tpu.dma_semaphore, #tpu.memory_space<semaphore_mem>>)
      %dma_start3A_273 = arith.constant 0 : i32
      %dma_start3A_274 = arith.constant 0 : i32
      %dma_start3A_275 = tpu.memref_slice %arg3[%dma_start3A_273, %dma_start3A_274] : memref<20000x256xf32, #tpu.memory_space<hbm>> -> memref<20000x256xf32, #tpu.memory_space<hbm>>
      tpu.enqueue_indirect_dma source(%dma_start3A_275 : memref<20000x256xf32, #tpu.memory_space<hbm>>) target(%arg13 : memref<40x256xf32, #tpu.memory_space<vmem>>) offsets(%arg10 : memref<40xi32, #tpu.memory_space<vmem>>) semaphore(%arg20 : memref<!tpu.dma_semaphore, #tpu.memory_space<semaphore_mem>>)
      %mul3A_276 = arith.constant 160000 : i32
      %mul3A_277 = arith.muli %arg0, %mul3A_276 : i32
      %add3A_278 = arith.addi %mul3A_277, %add3A_204 : i32
      %dma_start3A_279 = arith.constant 0 : i32
      %dma_start3A_280 = tpu.memref_slice %arg4[%add3A_278, %dma_start3A_279] : memref<320000x128xf32, #tpu.memory_space<hbm>> -> memref<40x128xf32, #tpu.memory_space<hbm>>
      %dma_start3A_281 = arith.constant 0 : i32
      %dma_start3A_282 = tpu.memref_slice %arg4[%add3A_278, %dma_start3A_281] : memref<320000x128xf32, #tpu.memory_space<hbm>> -> memref<40x128xf32, #tpu.memory_space<hbm>>
      tpu.enqueue_dma source(%dma_start3A_282 : memref<40x128xf32, #tpu.memory_space<hbm>>) target(%arg14 : memref<40x128xf32, #tpu.memory_space<vmem>>) target_semaphore(%arg22 : memref<!tpu.dma_semaphore, #tpu.memory_space<semaphore_mem>>)
      %dma_wait3A = arith.constant 0 : i32
      %dma_wait3A_283 = arith.constant 0 : i32
      %dma_wait3A_284 = tpu.memref_slice %arg2[%dma_wait3A, %dma_wait3A_283] : memref<20000x128xf32, #tpu.memory_space<hbm>> -> memref<20000x128xf32, #tpu.memory_space<hbm>>
      tpu.wait_indirect_dma semaphore(%arg19 : memref<!tpu.dma_semaphore, #tpu.memory_space<semaphore_mem>>) src(%dma_wait3A_284 : memref<20000x128xf32, #tpu.memory_space<hbm>>) dst(%arg12 : memref<40x128xf32, #tpu.memory_space<vmem>>)
      %dma_wait3A_285 = arith.constant 0 : i32
      %dma_wait3A_286 = arith.constant 0 : i32
      %dma_wait3A_287 = tpu.memref_slice %arg3[%dma_wait3A_285, %dma_wait3A_286] : memref<20000x256xf32, #tpu.memory_space<hbm>> -> memref<20000x256xf32, #tpu.memory_space<hbm>>
      tpu.wait_indirect_dma semaphore(%arg20 : memref<!tpu.dma_semaphore, #tpu.memory_space<semaphore_mem>>) src(%dma_wait3A_287 : memref<20000x256xf32, #tpu.memory_space<hbm>>) dst(%arg13 : memref<40x256xf32, #tpu.memory_space<vmem>>)
      %dma_wait3A_288 = arith.constant 0 : i32
      %dma_wait3A_289 = tpu.memref_slice %arg4[%add3A_278, %dma_wait3A_288] : memref<320000x128xf32, #tpu.memory_space<hbm>> -> memref<40x128xf32, #tpu.memory_space<hbm>>
      %dma_wait3A_290 = arith.constant 0 : i32
      %dma_wait3A_291 = tpu.memref_slice %arg4[%add3A_278, %dma_wait3A_290] : memref<320000x128xf32, #tpu.memory_space<hbm>> -> memref<40x128xf32, #tpu.memory_space<hbm>>
      tpu.wait_dma2 semaphore(%arg22 : memref<!tpu.dma_semaphore, #tpu.memory_space<semaphore_mem>>) src(%dma_wait3A_291 : memref<40x128xf32, #tpu.memory_space<hbm>>) dst(%arg14 : memref<40x128xf32, #tpu.memory_space<vmem>>)
      %scan3A_292 = arith.constant 0 : i32
      %scan3A_293 = arith.constant 0 : i32
      %scan3A_294 = arith.constant 0 : i32
      %scan3A_295 = arith.addi %scan3A_293, %scan3A_294 : i32
      %scan3A_296 = arith.constant 0 : i32
      %run_scoped3A = arith.constant 0 : i32
      "tpu.region"() ({
        %run_scoped3A_302 = tpu.sem_alloc : memref<!tpu.dma_semaphore, #tpu.memory_space<semaphore_mem>>
        %dma_start3A_303 = arith.constant 0 : i32
        %dma_start3A_304 = tpu.memref_slice %arg8[%run_scoped3A, %dma_start3A_303] : memref<2x40xi32, #tpu.memory_space<vmem>> -> memref<1x40xi32, #tpu.memory_space<vmem>>
        %dma_start3A_305 = tpu.memref_squeeze %dma_start3A_304 : memref<1x40xi32, #tpu.memory_space<vmem>> -> memref<40xi32, #tpu.memory_space<vmem>>
        %dma_start3A_306 = arith.constant 0 : i32
        %dma_start3A_307 = arith.constant 0 : i32
        %dma_start3A_308 = tpu.memref_slice %arg17[%dma_start3A_306, %dma_start3A_307] : memref<10240x128xf32, #tpu.memory_space<vmem_shared>> -> memref<10240x128xf32, #tpu.memory_space<vmem_shared>>
        tpu.enqueue_indirect_dma source(%arg15 : memref<40x128xf32, #tpu.memory_space<vmem>>) target(%dma_start3A_308 : memref<10240x128xf32, #tpu.memory_space<vmem_shared>>) offsets(%dma_start3A_305 : memref<40xi32, #tpu.memory_space<vmem>>) semaphore(%run_scoped3A_302 : memref<!tpu.dma_semaphore, #tpu.memory_space<semaphore_mem>>) {add = true}
        %dma_wait3A_309 = arith.constant 0 : i32
        %dma_wait3A_310 = tpu.memref_slice %arg8[%run_scoped3A, %dma_wait3A_309] : memref<2x40xi32, #tpu.memory_space<vmem>> -> memref<1x40xi32, #tpu.memory_space<vmem>>
        %dma_wait3A_311 = tpu.memref_squeeze %dma_wait3A_310 : memref<1x40xi32, #tpu.memory_space<vmem>> -> memref<40xi32, #tpu.memory_space<vmem>>
        %dma_wait3A_312 = arith.constant 0 : i32
        %dma_wait3A_313 = arith.constant 0 : i32
        %dma_wait3A_314 = tpu.memref_slice %arg17[%dma_wait3A_312, %dma_wait3A_313] : memref<10240x128xf32, #tpu.memory_space<vmem_shared>> -> memref<10240x128xf32, #tpu.memory_space<vmem_shared>>
        tpu.wait_indirect_dma semaphore(%run_scoped3A_302 : memref<!tpu.dma_semaphore, #tpu.memory_space<semaphore_mem>>) src(%arg15 : memref<40x128xf32, #tpu.memory_space<vmem>>) dst(%dma_wait3A_314 : memref<10240x128xf32, #tpu.memory_space<vmem_shared>>)
        tpu.yield
      }) : () -> ()
      "tpu.region"() ({
        %run_scoped3A_302 = tpu.sem_alloc : memref<!tpu.dma_semaphore, #tpu.memory_space<semaphore_mem>>
        %dma_start3A_303 = arith.constant 0 : i32
        %dma_start3A_304 = arith.constant 0 : i32
        %dma_start3A_305 = tpu.memref_slice %arg18[%dma_start3A_303, %dma_start3A_304] : memref<640x128xf32, #tpu.memory_space<vmem_shared>> -> memref<640x128xf32, #tpu.memory_space<vmem_shared>>
        tpu.enqueue_indirect_dma source(%arg16 : memref<40x128xf32, #tpu.memory_space<vmem>>) target(%dma_start3A_305 : memref<640x128xf32, #tpu.memory_space<vmem_shared>>) offsets(%arg11 : memref<40xi32, #tpu.memory_space<vmem>>) semaphore(%run_scoped3A_302 : memref<!tpu.dma_semaphore, #tpu.memory_space<semaphore_mem>>) {add = true}
        %dma_wait3A_306 = arith.constant 0 : i32
        %dma_wait3A_307 = arith.constant 0 : i32
        %dma_wait3A_308 = tpu.memref_slice %arg18[%dma_wait3A_306, %dma_wait3A_307] : memref<640x128xf32, #tpu.memory_space<vmem_shared>> -> memref<640x128xf32, #tpu.memory_space<vmem_shared>>
        tpu.wait_indirect_dma semaphore(%run_scoped3A_302 : memref<!tpu.dma_semaphore, #tpu.memory_space<semaphore_mem>>) src(%arg16 : memref<40x128xf32, #tpu.memory_space<vmem>>) dst(%dma_wait3A_308 : memref<640x128xf32, #tpu.memory_space<vmem_shared>>)
        tpu.yield
      }) : () -> ()
      %scan3A_297 = arith.constant 0 : i32
      %scan3A_298 = arith.constant 0 : i32
      %scan3A_299 = arith.constant 0 : i32
      %scan3A_300 = arith.addi %scan3A_298, %scan3A_299 : i32
      %scan3A_301 = arith.constant 0 : i32
    }
    %scan3A_80 = arith.constant 250 : i32
    %barrier3A_81 = arith.constant 0 : index
    tpu.barrier barrier_id(%barrier3A_81)
    %mul3A_82 = arith.constant 640 : i32
    %mul3A_83 = arith.muli %arg1, %mul3A_82 : i32
    %add3A_84 = arith.constant 0 : i32
    %add3A_85 = arith.addi %mul3A_83, %add3A_84 : i32
    %mul3A_86 = arith.constant 10240 : i32
    %mul3A_87 = arith.muli %arg0, %mul3A_86 : i32
    %add3A_88 = arith.addi %mul3A_87, %add3A_85 : i32
    "tpu.region"() ({
      %run_scoped3A = tpu.sem_alloc : memref<!tpu.dma_semaphore, #tpu.memory_space<semaphore_mem>>
      %dma_start3A = arith.constant 0 : i32
      %dma_start3A_199 = tpu.memref_slice %arg6[%add3A_88, %dma_start3A] : memref<20480x128xf32, #tpu.memory_space<hbm>> -> memref<40x128xf32, #tpu.memory_space<hbm>>
      %dma_start3A_200 = arith.constant 0 : i32
      %dma_start3A_201 = tpu.memref_slice %arg17[%add3A_85, %dma_start3A_200] : memref<10240x128xf32, #tpu.memory_space<vmem_shared>> -> memref<40x128xf32, #tpu.memory_space<vmem_shared>>
      tpu.enqueue_dma source(%dma_start3A_201 : memref<40x128xf32, #tpu.memory_space<vmem_shared>>) target(%dma_start3A_199 : memref<40x128xf32, #tpu.memory_space<hbm>>) target_semaphore(%run_scoped3A : memref<!tpu.dma_semaphore, #tpu.memory_space<semaphore_mem>>)
      %dma_wait3A = arith.constant 0 : i32
      %dma_wait3A_202 = tpu.memref_slice %arg6[%add3A_88, %dma_wait3A] : memref<20480x128xf32, #tpu.memory_space<hbm>> -> memref<40x128xf32, #tpu.memory_space<hbm>>
      %dma_wait3A_203 = arith.constant 0 : i32
      %dma_wait3A_204 = tpu.memref_slice %arg17[%add3A_85, %dma_wait3A_203] : memref<10240x128xf32, #tpu.memory_space<vmem_shared>> -> memref<40x128xf32, #tpu.memory_space<vmem_shared>>
      tpu.wait_dma2 semaphore(%run_scoped3A : memref<!tpu.dma_semaphore, #tpu.memory_space<semaphore_mem>>) src(%dma_wait3A_204 : memref<40x128xf32, #tpu.memory_space<vmem_shared>>) dst(%dma_wait3A_202 : memref<40x128xf32, #tpu.memory_space<hbm>>)
      tpu.yield
    }) : () -> ()
    %mul3A_89 = arith.constant 640 : i32
    %mul3A_90 = arith.muli %arg1, %mul3A_89 : i32
    %add3A_91 = arith.constant 40 : i32
    %add3A_92 = arith.addi %mul3A_90, %add3A_91 : i32
    %mul3A_93 = arith.constant 10240 : i32
    %mul3A_94 = arith.muli %arg0, %mul3A_93 : i32
    %add3A_95 = arith.addi %mul3A_94, %add3A_92 : i32
    "tpu.region"() ({
      %run_scoped3A = tpu.sem_alloc : memref<!tpu.dma_semaphore, #tpu.memory_space<semaphore_mem>>
      %dma_start3A = arith.constant 0 : i32
      %dma_start3A_199 = tpu.memref_slice %arg6[%add3A_95, %dma_start3A] : memref<20480x128xf32, #tpu.memory_space<hbm>> -> memref<40x128xf32, #tpu.memory_space<hbm>>
      %dma_start3A_200 = arith.constant 0 : i32
      %dma_start3A_201 = tpu.memref_slice %arg17[%add3A_92, %dma_start3A_200] : memref<10240x128xf32, #tpu.memory_space<vmem_shared>> -> memref<40x128xf32, #tpu.memory_space<vmem_shared>>
      tpu.enqueue_dma source(%dma_start3A_201 : memref<40x128xf32, #tpu.memory_space<vmem_shared>>) target(%dma_start3A_199 : memref<40x128xf32, #tpu.memory_space<hbm>>) target_semaphore(%run_scoped3A : memref<!tpu.dma_semaphore, #tpu.memory_space<semaphore_mem>>)
      %dma_wait3A = arith.constant 0 : i32
      %dma_wait3A_202 = tpu.memref_slice %arg6[%add3A_95, %dma_wait3A] : memref<20480x128xf32, #tpu.memory_space<hbm>> -> memref<40x128xf32, #tpu.memory_space<hbm>>
      %dma_wait3A_203 = arith.constant 0 : i32
      %dma_wait3A_204 = tpu.memref_slice %arg17[%add3A_92, %dma_wait3A_203] : memref<10240x128xf32, #tpu.memory_space<vmem_shared>> -> memref<40x128xf32, #tpu.memory_space<vmem_shared>>
      tpu.wait_dma2 semaphore(%run_scoped3A : memref<!tpu.dma_semaphore, #tpu.memory_space<semaphore_mem>>) src(%dma_wait3A_204 : memref<40x128xf32, #tpu.memory_space<vmem_shared>>) dst(%dma_wait3A_202 : memref<40x128xf32, #tpu.memory_space<hbm>>)
      tpu.yield
    }) : () -> ()
    %mul3A_96 = arith.constant 640 : i32
    %mul3A_97 = arith.muli %arg1, %mul3A_96 : i32
    %add3A_98 = arith.constant 80 : i32
    %add3A_99 = arith.addi %mul3A_97, %add3A_98 : i32
    %mul3A_100 = arith.constant 10240 : i32
    %mul3A_101 = arith.muli %arg0, %mul3A_100 : i32
    %add3A_102 = arith.addi %mul3A_101, %add3A_99 : i32
    "tpu.region"() ({
      %run_scoped3A = tpu.sem_alloc : memref<!tpu.dma_semaphore, #tpu.memory_space<semaphore_mem>>
      %dma_start3A = arith.constant 0 : i32
      %dma_start3A_199 = tpu.memref_slice %arg6[%add3A_102, %dma_start3A] : memref<20480x128xf32, #tpu.memory_space<hbm>> -> memref<40x128xf32, #tpu.memory_space<hbm>>
      %dma_start3A_200 = arith.constant 0 : i32
      %dma_start3A_201 = tpu.memref_slice %arg17[%add3A_99, %dma_start3A_200] : memref<10240x128xf32, #tpu.memory_space<vmem_shared>> -> memref<40x128xf32, #tpu.memory_space<vmem_shared>>
      tpu.enqueue_dma source(%dma_start3A_201 : memref<40x128xf32, #tpu.memory_space<vmem_shared>>) target(%dma_start3A_199 : memref<40x128xf32, #tpu.memory_space<hbm>>) target_semaphore(%run_scoped3A : memref<!tpu.dma_semaphore, #tpu.memory_space<semaphore_mem>>)
      %dma_wait3A = arith.constant 0 : i32
      %dma_wait3A_202 = tpu.memref_slice %arg6[%add3A_102, %dma_wait3A] : memref<20480x128xf32, #tpu.memory_space<hbm>> -> memref<40x128xf32, #tpu.memory_space<hbm>>
      %dma_wait3A_203 = arith.constant 0 : i32
      %dma_wait3A_204 = tpu.memref_slice %arg17[%add3A_99, %dma_wait3A_203] : memref<10240x128xf32, #tpu.memory_space<vmem_shared>> -> memref<40x128xf32, #tpu.memory_space<vmem_shared>>
      tpu.wait_dma2 semaphore(%run_scoped3A : memref<!tpu.dma_semaphore, #tpu.memory_space<semaphore_mem>>) src(%dma_wait3A_204 : memref<40x128xf32, #tpu.memory_space<vmem_shared>>) dst(%dma_wait3A_202 : memref<40x128xf32, #tpu.memory_space<hbm>>)
      tpu.yield
    }) : () -> ()
    %mul3A_103 = arith.constant 640 : i32
    %mul3A_104 = arith.muli %arg1, %mul3A_103 : i32
    %add3A_105 = arith.constant 120 : i32
    %add3A_106 = arith.addi %mul3A_104, %add3A_105 : i32
    %mul3A_107 = arith.constant 10240 : i32
    %mul3A_108 = arith.muli %arg0, %mul3A_107 : i32
    %add3A_109 = arith.addi %mul3A_108, %add3A_106 : i32
    "tpu.region"() ({
      %run_scoped3A = tpu.sem_alloc : memref<!tpu.dma_semaphore, #tpu.memory_space<semaphore_mem>>
      %dma_start3A = arith.constant 0 : i32
      %dma_start3A_199 = tpu.memref_slice %arg6[%add3A_109, %dma_start3A] : memref<20480x128xf32, #tpu.memory_space<hbm>> -> memref<40x128xf32, #tpu.memory_space<hbm>>
      %dma_start3A_200 = arith.constant 0 : i32
      %dma_start3A_201 = tpu.memref_slice %arg17[%add3A_106, %dma_start3A_200] : memref<10240x128xf32, #tpu.memory_space<vmem_shared>> -> memref<40x128xf32, #tpu.memory_space<vmem_shared>>
      tpu.enqueue_dma source(%dma_start3A_201 : memref<40x128xf32, #tpu.memory_space<vmem_shared>>) target(%dma_start3A_199 : memref<40x128xf32, #tpu.memory_space<hbm>>) target_semaphore(%run_scoped3A : memref<!tpu.dma_semaphore, #tpu.memory_space<semaphore_mem>>)
      %dma_wait3A = arith.constant 0 : i32
      %dma_wait3A_202 = tpu.memref_slice %arg6[%add3A_109, %dma_wait3A] : memref<20480x128xf32, #tpu.memory_space<hbm>> -> memref<40x128xf32, #tpu.memory_space<hbm>>
      %dma_wait3A_203 = arith.constant 0 : i32
      %dma_wait3A_204 = tpu.memref_slice %arg17[%add3A_106, %dma_wait3A_203] : memref<10240x128xf32, #tpu.memory_space<vmem_shared>> -> memref<40x128xf32, #tpu.memory_space<vmem_shared>>
      tpu.wait_dma2 semaphore(%run_scoped3A : memref<!tpu.dma_semaphore, #tpu.memory_space<semaphore_mem>>) src(%dma_wait3A_204 : memref<40x128xf32, #tpu.memory_space<vmem_shared>>) dst(%dma_wait3A_202 : memref<40x128xf32, #tpu.memory_space<hbm>>)
      tpu.yield
    }) : () -> ()
    %mul3A_110 = arith.constant 640 : i32
    %mul3A_111 = arith.muli %arg1, %mul3A_110 : i32
    %add3A_112 = arith.constant 160 : i32
    %add3A_113 = arith.addi %mul3A_111, %add3A_112 : i32
    %mul3A_114 = arith.constant 10240 : i32
    %mul3A_115 = arith.muli %arg0, %mul3A_114 : i32
    %add3A_116 = arith.addi %mul3A_115, %add3A_113 : i32
    "tpu.region"() ({
      %run_scoped3A = tpu.sem_alloc : memref<!tpu.dma_semaphore, #tpu.memory_space<semaphore_mem>>
      %dma_start3A = arith.constant 0 : i32
      %dma_start3A_199 = tpu.memref_slice %arg6[%add3A_116, %dma_start3A] : memref<20480x128xf32, #tpu.memory_space<hbm>> -> memref<40x128xf32, #tpu.memory_space<hbm>>
      %dma_start3A_200 = arith.constant 0 : i32
      %dma_start3A_201 = tpu.memref_slice %arg17[%add3A_113, %dma_start3A_200] : memref<10240x128xf32, #tpu.memory_space<vmem_shared>> -> memref<40x128xf32, #tpu.memory_space<vmem_shared>>
      tpu.enqueue_dma source(%dma_start3A_201 : memref<40x128xf32, #tpu.memory_space<vmem_shared>>) target(%dma_start3A_199 : memref<40x128xf32, #tpu.memory_space<hbm>>) target_semaphore(%run_scoped3A : memref<!tpu.dma_semaphore, #tpu.memory_space<semaphore_mem>>)
      %dma_wait3A = arith.constant 0 : i32
      %dma_wait3A_202 = tpu.memref_slice %arg6[%add3A_116, %dma_wait3A] : memref<20480x128xf32, #tpu.memory_space<hbm>> -> memref<40x128xf32, #tpu.memory_space<hbm>>
      %dma_wait3A_203 = arith.constant 0 : i32
      %dma_wait3A_204 = tpu.memref_slice %arg17[%add3A_113, %dma_wait3A_203] : memref<10240x128xf32, #tpu.memory_space<vmem_shared>> -> memref<40x128xf32, #tpu.memory_space<vmem_shared>>
      tpu.wait_dma2 semaphore(%run_scoped3A : memref<!tpu.dma_semaphore, #tpu.memory_space<semaphore_mem>>) src(%dma_wait3A_204 : memref<40x128xf32, #tpu.memory_space<vmem_shared>>) dst(%dma_wait3A_202 : memref<40x128xf32, #tpu.memory_space<hbm>>)
      tpu.yield
    }) : () -> ()
    %mul3A_117 = arith.constant 640 : i32
    %mul3A_118 = arith.muli %arg1, %mul3A_117 : i32
    %add3A_119 = arith.constant 200 : i32
    %add3A_120 = arith.addi %mul3A_118, %add3A_119 : i32
    %mul3A_121 = arith.constant 10240 : i32
    %mul3A_122 = arith.muli %arg0, %mul3A_121 : i32
    %add3A_123 = arith.addi %mul3A_122, %add3A_120 : i32
    "tpu.region"() ({
      %run_scoped3A = tpu.sem_alloc : memref<!tpu.dma_semaphore, #tpu.memory_space<semaphore_mem>>
      %dma_start3A = arith.constant 0 : i32
      %dma_start3A_199 = tpu.memref_slice %arg6[%add3A_123, %dma_start3A] : memref<20480x128xf32, #tpu.memory_space<hbm>> -> memref<40x128xf32, #tpu.memory_space<hbm>>
      %dma_start3A_200 = arith.constant 0 : i32
      %dma_start3A_201 = tpu.memref_slice %arg17[%add3A_120, %dma_start3A_200] : memref<10240x128xf32, #tpu.memory_space<vmem_shared>> -> memref<40x128xf32, #tpu.memory_space<vmem_shared>>
      tpu.enqueue_dma source(%dma_start3A_201 : memref<40x128xf32, #tpu.memory_space<vmem_shared>>) target(%dma_start3A_199 : memref<40x128xf32, #tpu.memory_space<hbm>>) target_semaphore(%run_scoped3A : memref<!tpu.dma_semaphore, #tpu.memory_space<semaphore_mem>>)
      %dma_wait3A = arith.constant 0 : i32
      %dma_wait3A_202 = tpu.memref_slice %arg6[%add3A_123, %dma_wait3A] : memref<20480x128xf32, #tpu.memory_space<hbm>> -> memref<40x128xf32, #tpu.memory_space<hbm>>
      %dma_wait3A_203 = arith.constant 0 : i32
      %dma_wait3A_204 = tpu.memref_slice %arg17[%add3A_120, %dma_wait3A_203] : memref<10240x128xf32, #tpu.memory_space<vmem_shared>> -> memref<40x128xf32, #tpu.memory_space<vmem_shared>>
      tpu.wait_dma2 semaphore(%run_scoped3A : memref<!tpu.dma_semaphore, #tpu.memory_space<semaphore_mem>>) src(%dma_wait3A_204 : memref<40x128xf32, #tpu.memory_space<vmem_shared>>) dst(%dma_wait3A_202 : memref<40x128xf32, #tpu.memory_space<hbm>>)
      tpu.yield
    }) : () -> ()
    %mul3A_124 = arith.constant 640 : i32
    %mul3A_125 = arith.muli %arg1, %mul3A_124 : i32
    %add3A_126 = arith.constant 240 : i32
    %add3A_127 = arith.addi %mul3A_125, %add3A_126 : i32
    %mul3A_128 = arith.constant 10240 : i32
    %mul3A_129 = arith.muli %arg0, %mul3A_128 : i32
    %add3A_130 = arith.addi %mul3A_129, %add3A_127 : i32
    "tpu.region"() ({
      %run_scoped3A = tpu.sem_alloc : memref<!tpu.dma_semaphore, #tpu.memory_space<semaphore_mem>>
      %dma_start3A = arith.constant 0 : i32
      %dma_start3A_199 = tpu.memref_slice %arg6[%add3A_130, %dma_start3A] : memref<20480x128xf32, #tpu.memory_space<hbm>> -> memref<40x128xf32, #tpu.memory_space<hbm>>
      %dma_start3A_200 = arith.constant 0 : i32
      %dma_start3A_201 = tpu.memref_slice %arg17[%add3A_127, %dma_start3A_200] : memref<10240x128xf32, #tpu.memory_space<vmem_shared>> -> memref<40x128xf32, #tpu.memory_space<vmem_shared>>
      tpu.enqueue_dma source(%dma_start3A_201 : memref<40x128xf32, #tpu.memory_space<vmem_shared>>) target(%dma_start3A_199 : memref<40x128xf32, #tpu.memory_space<hbm>>) target_semaphore(%run_scoped3A : memref<!tpu.dma_semaphore, #tpu.memory_space<semaphore_mem>>)
      %dma_wait3A = arith.constant 0 : i32
      %dma_wait3A_202 = tpu.memref_slice %arg6[%add3A_130, %dma_wait3A] : memref<20480x128xf32, #tpu.memory_space<hbm>> -> memref<40x128xf32, #tpu.memory_space<hbm>>
      %dma_wait3A_203 = arith.constant 0 : i32
      %dma_wait3A_204 = tpu.memref_slice %arg17[%add3A_127, %dma_wait3A_203] : memref<10240x128xf32, #tpu.memory_space<vmem_shared>> -> memref<40x128xf32, #tpu.memory_space<vmem_shared>>
      tpu.wait_dma2 semaphore(%run_scoped3A : memref<!tpu.dma_semaphore, #tpu.memory_space<semaphore_mem>>) src(%dma_wait3A_204 : memref<40x128xf32, #tpu.memory_space<vmem_shared>>) dst(%dma_wait3A_202 : memref<40x128xf32, #tpu.memory_space<hbm>>)
      tpu.yield
    }) : () -> ()
    %mul3A_131 = arith.constant 640 : i32
    %mul3A_132 = arith.muli %arg1, %mul3A_131 : i32
    %add3A_133 = arith.constant 280 : i32
    %add3A_134 = arith.addi %mul3A_132, %add3A_133 : i32
    %mul3A_135 = arith.constant 10240 : i32
    %mul3A_136 = arith.muli %arg0, %mul3A_135 : i32
    %add3A_137 = arith.addi %mul3A_136, %add3A_134 : i32
    "tpu.region"() ({
      %run_scoped3A = tpu.sem_alloc : memref<!tpu.dma_semaphore, #tpu.memory_space<semaphore_mem>>
      %dma_start3A = arith.constant 0 : i32
      %dma_start3A_199 = tpu.memref_slice %arg6[%add3A_137, %dma_start3A] : memref<20480x128xf32, #tpu.memory_space<hbm>> -> memref<40x128xf32, #tpu.memory_space<hbm>>
      %dma_start3A_200 = arith.constant 0 : i32
      %dma_start3A_201 = tpu.memref_slice %arg17[%add3A_134, %dma_start3A_200] : memref<10240x128xf32, #tpu.memory_space<vmem_shared>> -> memref<40x128xf32, #tpu.memory_space<vmem_shared>>
      tpu.enqueue_dma source(%dma_start3A_201 : memref<40x128xf32, #tpu.memory_space<vmem_shared>>) target(%dma_start3A_199 : memref<40x128xf32, #tpu.memory_space<hbm>>) target_semaphore(%run_scoped3A : memref<!tpu.dma_semaphore, #tpu.memory_space<semaphore_mem>>)
      %dma_wait3A = arith.constant 0 : i32
      %dma_wait3A_202 = tpu.memref_slice %arg6[%add3A_137, %dma_wait3A] : memref<20480x128xf32, #tpu.memory_space<hbm>> -> memref<40x128xf32, #tpu.memory_space<hbm>>
      %dma_wait3A_203 = arith.constant 0 : i32
      %dma_wait3A_204 = tpu.memref_slice %arg17[%add3A_134, %dma_wait3A_203] : memref<10240x128xf32, #tpu.memory_space<vmem_shared>> -> memref<40x128xf32, #tpu.memory_space<vmem_shared>>
      tpu.wait_dma2 semaphore(%run_scoped3A : memref<!tpu.dma_semaphore, #tpu.memory_space<semaphore_mem>>) src(%dma_wait3A_204 : memref<40x128xf32, #tpu.memory_space<vmem_shared>>) dst(%dma_wait3A_202 : memref<40x128xf32, #tpu.memory_space<hbm>>)
      tpu.yield
    }) : () -> ()
    %mul3A_138 = arith.constant 640 : i32
    %mul3A_139 = arith.muli %arg1, %mul3A_138 : i32
    %add3A_140 = arith.constant 320 : i32
    %add3A_141 = arith.addi %mul3A_139, %add3A_140 : i32
    %mul3A_142 = arith.constant 10240 : i32
    %mul3A_143 = arith.muli %arg0, %mul3A_142 : i32
    %add3A_144 = arith.addi %mul3A_143, %add3A_141 : i32
    "tpu.region"() ({
      %run_scoped3A = tpu.sem_alloc : memref<!tpu.dma_semaphore, #tpu.memory_space<semaphore_mem>>
      %dma_start3A = arith.constant 0 : i32
      %dma_start3A_199 = tpu.memref_slice %arg6[%add3A_144, %dma_start3A] : memref<20480x128xf32, #tpu.memory_space<hbm>> -> memref<40x128xf32, #tpu.memory_space<hbm>>
      %dma_start3A_200 = arith.constant 0 : i32
      %dma_start3A_201 = tpu.memref_slice %arg17[%add3A_141, %dma_start3A_200] : memref<10240x128xf32, #tpu.memory_space<vmem_shared>> -> memref<40x128xf32, #tpu.memory_space<vmem_shared>>
      tpu.enqueue_dma source(%dma_start3A_201 : memref<40x128xf32, #tpu.memory_space<vmem_shared>>) target(%dma_start3A_199 : memref<40x128xf32, #tpu.memory_space<hbm>>) target_semaphore(%run_scoped3A : memref<!tpu.dma_semaphore, #tpu.memory_space<semaphore_mem>>)
      %dma_wait3A = arith.constant 0 : i32
      %dma_wait3A_202 = tpu.memref_slice %arg6[%add3A_144, %dma_wait3A] : memref<20480x128xf32, #tpu.memory_space<hbm>> -> memref<40x128xf32, #tpu.memory_space<hbm>>
      %dma_wait3A_203 = arith.constant 0 : i32
      %dma_wait3A_204 = tpu.memref_slice %arg17[%add3A_141, %dma_wait3A_203] : memref<10240x128xf32, #tpu.memory_space<vmem_shared>> -> memref<40x128xf32, #tpu.memory_space<vmem_shared>>
      tpu.wait_dma2 semaphore(%run_scoped3A : memref<!tpu.dma_semaphore, #tpu.memory_space<semaphore_mem>>) src(%dma_wait3A_204 : memref<40x128xf32, #tpu.memory_space<vmem_shared>>) dst(%dma_wait3A_202 : memref<40x128xf32, #tpu.memory_space<hbm>>)
      tpu.yield
    }) : () -> ()
    %mul3A_145 = arith.constant 640 : i32
    %mul3A_146 = arith.muli %arg1, %mul3A_145 : i32
    %add3A_147 = arith.constant 360 : i32
    %add3A_148 = arith.addi %mul3A_146, %add3A_147 : i32
    %mul3A_149 = arith.constant 10240 : i32
    %mul3A_150 = arith.muli %arg0, %mul3A_149 : i32
    %add3A_151 = arith.addi %mul3A_150, %add3A_148 : i32
    "tpu.region"() ({
      %run_scoped3A = tpu.sem_alloc : memref<!tpu.dma_semaphore, #tpu.memory_space<semaphore_mem>>
      %dma_start3A = arith.constant 0 : i32
      %dma_start3A_199 = tpu.memref_slice %arg6[%add3A_151, %dma_start3A] : memref<20480x128xf32, #tpu.memory_space<hbm>> -> memref<40x128xf32, #tpu.memory_space<hbm>>
      %dma_start3A_200 = arith.constant 0 : i32
      %dma_start3A_201 = tpu.memref_slice %arg17[%add3A_148, %dma_start3A_200] : memref<10240x128xf32, #tpu.memory_space<vmem_shared>> -> memref<40x128xf32, #tpu.memory_space<vmem_shared>>
      tpu.enqueue_dma source(%dma_start3A_201 : memref<40x128xf32, #tpu.memory_space<vmem_shared>>) target(%dma_start3A_199 : memref<40x128xf32, #tpu.memory_space<hbm>>) target_semaphore(%run_scoped3A : memref<!tpu.dma_semaphore, #tpu.memory_space<semaphore_mem>>)
      %dma_wait3A = arith.constant 0 : i32
      %dma_wait3A_202 = tpu.memref_slice %arg6[%add3A_151, %dma_wait3A] : memref<20480x128xf32, #tpu.memory_space<hbm>> -> memref<40x128xf32, #tpu.memory_space<hbm>>
      %dma_wait3A_203 = arith.constant 0 : i32
      %dma_wait3A_204 = tpu.memref_slice %arg17[%add3A_148, %dma_wait3A_203] : memref<10240x128xf32, #tpu.memory_space<vmem_shared>> -> memref<40x128xf32, #tpu.memory_space<vmem_shared>>
      tpu.wait_dma2 semaphore(%run_scoped3A : memref<!tpu.dma_semaphore, #tpu.memory_space<semaphore_mem>>) src(%dma_wait3A_204 : memref<40x128xf32, #tpu.memory_space<vmem_shared>>) dst(%dma_wait3A_202 : memref<40x128xf32, #tpu.memory_space<hbm>>)
      tpu.yield
    }) : () -> ()
    %mul3A_152 = arith.constant 640 : i32
    %mul3A_153 = arith.muli %arg1, %mul3A_152 : i32
    %add3A_154 = arith.constant 400 : i32
    %add3A_155 = arith.addi %mul3A_153, %add3A_154 : i32
    %mul3A_156 = arith.constant 10240 : i32
    %mul3A_157 = arith.muli %arg0, %mul3A_156 : i32
    %add3A_158 = arith.addi %mul3A_157, %add3A_155 : i32
    "tpu.region"() ({
      %run_scoped3A = tpu.sem_alloc : memref<!tpu.dma_semaphore, #tpu.memory_space<semaphore_mem>>
      %dma_start3A = arith.constant 0 : i32
      %dma_start3A_199 = tpu.memref_slice %arg6[%add3A_158, %dma_start3A] : memref<20480x128xf32, #tpu.memory_space<hbm>> -> memref<40x128xf32, #tpu.memory_space<hbm>>
      %dma_start3A_200 = arith.constant 0 : i32
      %dma_start3A_201 = tpu.memref_slice %arg17[%add3A_155, %dma_start3A_200] : memref<10240x128xf32, #tpu.memory_space<vmem_shared>> -> memref<40x128xf32, #tpu.memory_space<vmem_shared>>
      tpu.enqueue_dma source(%dma_start3A_201 : memref<40x128xf32, #tpu.memory_space<vmem_shared>>) target(%dma_start3A_199 : memref<40x128xf32, #tpu.memory_space<hbm>>) target_semaphore(%run_scoped3A : memref<!tpu.dma_semaphore, #tpu.memory_space<semaphore_mem>>)
      %dma_wait3A = arith.constant 0 : i32
      %dma_wait3A_202 = tpu.memref_slice %arg6[%add3A_158, %dma_wait3A] : memref<20480x128xf32, #tpu.memory_space<hbm>> -> memref<40x128xf32, #tpu.memory_space<hbm>>
      %dma_wait3A_203 = arith.constant 0 : i32
      %dma_wait3A_204 = tpu.memref_slice %arg17[%add3A_155, %dma_wait3A_203] : memref<10240x128xf32, #tpu.memory_space<vmem_shared>> -> memref<40x128xf32, #tpu.memory_space<vmem_shared>>
      tpu.wait_dma2 semaphore(%run_scoped3A : memref<!tpu.dma_semaphore, #tpu.memory_space<semaphore_mem>>) src(%dma_wait3A_204 : memref<40x128xf32, #tpu.memory_space<vmem_shared>>) dst(%dma_wait3A_202 : memref<40x128xf32, #tpu.memory_space<hbm>>)
      tpu.yield
    }) : () -> ()
    %mul3A_159 = arith.constant 640 : i32
    %mul3A_160 = arith.muli %arg1, %mul3A_159 : i32
    %add3A_161 = arith.constant 440 : i32
    %add3A_162 = arith.addi %mul3A_160, %add3A_161 : i32
    %mul3A_163 = arith.constant 10240 : i32
    %mul3A_164 = arith.muli %arg0, %mul3A_163 : i32
    %add3A_165 = arith.addi %mul3A_164, %add3A_162 : i32
    "tpu.region"() ({
      %run_scoped3A = tpu.sem_alloc : memref<!tpu.dma_semaphore, #tpu.memory_space<semaphore_mem>>
      %dma_start3A = arith.constant 0 : i32
      %dma_start3A_199 = tpu.memref_slice %arg6[%add3A_165, %dma_start3A] : memref<20480x128xf32, #tpu.memory_space<hbm>> -> memref<40x128xf32, #tpu.memory_space<hbm>>
      %dma_start3A_200 = arith.constant 0 : i32
      %dma_start3A_201 = tpu.memref_slice %arg17[%add3A_162, %dma_start3A_200] : memref<10240x128xf32, #tpu.memory_space<vmem_shared>> -> memref<40x128xf32, #tpu.memory_space<vmem_shared>>
      tpu.enqueue_dma source(%dma_start3A_201 : memref<40x128xf32, #tpu.memory_space<vmem_shared>>) target(%dma_start3A_199 : memref<40x128xf32, #tpu.memory_space<hbm>>) target_semaphore(%run_scoped3A : memref<!tpu.dma_semaphore, #tpu.memory_space<semaphore_mem>>)
      %dma_wait3A = arith.constant 0 : i32
      %dma_wait3A_202 = tpu.memref_slice %arg6[%add3A_165, %dma_wait3A] : memref<20480x128xf32, #tpu.memory_space<hbm>> -> memref<40x128xf32, #tpu.memory_space<hbm>>
      %dma_wait3A_203 = arith.constant 0 : i32
      %dma_wait3A_204 = tpu.memref_slice %arg17[%add3A_162, %dma_wait3A_203] : memref<10240x128xf32, #tpu.memory_space<vmem_shared>> -> memref<40x128xf32, #tpu.memory_space<vmem_shared>>
      tpu.wait_dma2 semaphore(%run_scoped3A : memref<!tpu.dma_semaphore, #tpu.memory_space<semaphore_mem>>) src(%dma_wait3A_204 : memref<40x128xf32, #tpu.memory_space<vmem_shared>>) dst(%dma_wait3A_202 : memref<40x128xf32, #tpu.memory_space<hbm>>)
      tpu.yield
    }) : () -> ()
    %mul3A_166 = arith.constant 640 : i32
    %mul3A_167 = arith.muli %arg1, %mul3A_166 : i32
    %add3A_168 = arith.constant 480 : i32
    %add3A_169 = arith.addi %mul3A_167, %add3A_168 : i32
    %mul3A_170 = arith.constant 10240 : i32
    %mul3A_171 = arith.muli %arg0, %mul3A_170 : i32
    %add3A_172 = arith.addi %mul3A_171, %add3A_169 : i32
    "tpu.region"() ({
      %run_scoped3A = tpu.sem_alloc : memref<!tpu.dma_semaphore, #tpu.memory_space<semaphore_mem>>
      %dma_start3A = arith.constant 0 : i32
      %dma_start3A_199 = tpu.memref_slice %arg6[%add3A_172, %dma_start3A] : memref<20480x128xf32, #tpu.memory_space<hbm>> -> memref<40x128xf32, #tpu.memory_space<hbm>>
      %dma_start3A_200 = arith.constant 0 : i32
      %dma_start3A_201 = tpu.memref_slice %arg17[%add3A_169, %dma_start3A_200] : memref<10240x128xf32, #tpu.memory_space<vmem_shared>> -> memref<40x128xf32, #tpu.memory_space<vmem_shared>>
      tpu.enqueue_dma source(%dma_start3A_201 : memref<40x128xf32, #tpu.memory_space<vmem_shared>>) target(%dma_start3A_199 : memref<40x128xf32, #tpu.memory_space<hbm>>) target_semaphore(%run_scoped3A : memref<!tpu.dma_semaphore, #tpu.memory_space<semaphore_mem>>)
      %dma_wait3A = arith.constant 0 : i32
      %dma_wait3A_202 = tpu.memref_slice %arg6[%add3A_172, %dma_wait3A] : memref<20480x128xf32, #tpu.memory_space<hbm>> -> memref<40x128xf32, #tpu.memory_space<hbm>>
      %dma_wait3A_203 = arith.constant 0 : i32
      %dma_wait3A_204 = tpu.memref_slice %arg17[%add3A_169, %dma_wait3A_203] : memref<10240x128xf32, #tpu.memory_space<vmem_shared>> -> memref<40x128xf32, #tpu.memory_space<vmem_shared>>
      tpu.wait_dma2 semaphore(%run_scoped3A : memref<!tpu.dma_semaphore, #tpu.memory_space<semaphore_mem>>) src(%dma_wait3A_204 : memref<40x128xf32, #tpu.memory_space<vmem_shared>>) dst(%dma_wait3A_202 : memref<40x128xf32, #tpu.memory_space<hbm>>)
      tpu.yield
    }) : () -> ()
    %mul3A_173 = arith.constant 640 : i32
    %mul3A_174 = arith.muli %arg1, %mul3A_173 : i32
    %add3A_175 = arith.constant 520 : i32
    %add3A_176 = arith.addi %mul3A_174, %add3A_175 : i32
    %mul3A_177 = arith.constant 10240 : i32
    %mul3A_178 = arith.muli %arg0, %mul3A_177 : i32
    %add3A_179 = arith.addi %mul3A_178, %add3A_176 : i32
    "tpu.region"() ({
      %run_scoped3A = tpu.sem_alloc : memref<!tpu.dma_semaphore, #tpu.memory_space<semaphore_mem>>
      %dma_start3A = arith.constant 0 : i32
      %dma_start3A_199 = tpu.memref_slice %arg6[%add3A_179, %dma_start3A] : memref<20480x128xf32, #tpu.memory_space<hbm>> -> memref<40x128xf32, #tpu.memory_space<hbm>>
      %dma_start3A_200 = arith.constant 0 : i32
      %dma_start3A_201 = tpu.memref_slice %arg17[%add3A_176, %dma_start3A_200] : memref<10240x128xf32, #tpu.memory_space<vmem_shared>> -> memref<40x128xf32, #tpu.memory_space<vmem_shared>>
      tpu.enqueue_dma source(%dma_start3A_201 : memref<40x128xf32, #tpu.memory_space<vmem_shared>>) target(%dma_start3A_199 : memref<40x128xf32, #tpu.memory_space<hbm>>) target_semaphore(%run_scoped3A : memref<!tpu.dma_semaphore, #tpu.memory_space<semaphore_mem>>)
      %dma_wait3A = arith.constant 0 : i32
      %dma_wait3A_202 = tpu.memref_slice %arg6[%add3A_179, %dma_wait3A] : memref<20480x128xf32, #tpu.memory_space<hbm>> -> memref<40x128xf32, #tpu.memory_space<hbm>>
      %dma_wait3A_203 = arith.constant 0 : i32
      %dma_wait3A_204 = tpu.memref_slice %arg17[%add3A_176, %dma_wait3A_203] : memref<10240x128xf32, #tpu.memory_space<vmem_shared>> -> memref<40x128xf32, #tpu.memory_space<vmem_shared>>
      tpu.wait_dma2 semaphore(%run_scoped3A : memref<!tpu.dma_semaphore, #tpu.memory_space<semaphore_mem>>) src(%dma_wait3A_204 : memref<40x128xf32, #tpu.memory_space<vmem_shared>>) dst(%dma_wait3A_202 : memref<40x128xf32, #tpu.memory_space<hbm>>)
      tpu.yield
    }) : () -> ()
    %mul3A_180 = arith.constant 640 : i32
    %mul3A_181 = arith.muli %arg1, %mul3A_180 : i32
    %add3A_182 = arith.constant 560 : i32
    %add3A_183 = arith.addi %mul3A_181, %add3A_182 : i32
    %mul3A_184 = arith.constant 10240 : i32
    %mul3A_185 = arith.muli %arg0, %mul3A_184 : i32
    %add3A_186 = arith.addi %mul3A_185, %add3A_183 : i32
    "tpu.region"() ({
      %run_scoped3A = tpu.sem_alloc : memref<!tpu.dma_semaphore, #tpu.memory_space<semaphore_mem>>
      %dma_start3A = arith.constant 0 : i32
      %dma_start3A_199 = tpu.memref_slice %arg6[%add3A_186, %dma_start3A] : memref<20480x128xf32, #tpu.memory_space<hbm>> -> memref<40x128xf32, #tpu.memory_space<hbm>>
      %dma_start3A_200 = arith.constant 0 : i32
      %dma_start3A_201 = tpu.memref_slice %arg17[%add3A_183, %dma_start3A_200] : memref<10240x128xf32, #tpu.memory_space<vmem_shared>> -> memref<40x128xf32, #tpu.memory_space<vmem_shared>>
      tpu.enqueue_dma source(%dma_start3A_201 : memref<40x128xf32, #tpu.memory_space<vmem_shared>>) target(%dma_start3A_199 : memref<40x128xf32, #tpu.memory_space<hbm>>) target_semaphore(%run_scoped3A : memref<!tpu.dma_semaphore, #tpu.memory_space<semaphore_mem>>)
      %dma_wait3A = arith.constant 0 : i32
      %dma_wait3A_202 = tpu.memref_slice %arg6[%add3A_186, %dma_wait3A] : memref<20480x128xf32, #tpu.memory_space<hbm>> -> memref<40x128xf32, #tpu.memory_space<hbm>>
      %dma_wait3A_203 = arith.constant 0 : i32
      %dma_wait3A_204 = tpu.memref_slice %arg17[%add3A_183, %dma_wait3A_203] : memref<10240x128xf32, #tpu.memory_space<vmem_shared>> -> memref<40x128xf32, #tpu.memory_space<vmem_shared>>
      tpu.wait_dma2 semaphore(%run_scoped3A : memref<!tpu.dma_semaphore, #tpu.memory_space<semaphore_mem>>) src(%dma_wait3A_204 : memref<40x128xf32, #tpu.memory_space<vmem_shared>>) dst(%dma_wait3A_202 : memref<40x128xf32, #tpu.memory_space<hbm>>)
      tpu.yield
    }) : () -> ()
    %mul3A_187 = arith.constant 640 : i32
    %mul3A_188 = arith.muli %arg1, %mul3A_187 : i32
    %add3A_189 = arith.constant 600 : i32
    %add3A_190 = arith.addi %mul3A_188, %add3A_189 : i32
    %mul3A_191 = arith.constant 10240 : i32
    %mul3A_192 = arith.muli %arg0, %mul3A_191 : i32
    %add3A_193 = arith.addi %mul3A_192, %add3A_190 : i32
    "tpu.region"() ({
      %run_scoped3A = tpu.sem_alloc : memref<!tpu.dma_semaphore, #tpu.memory_space<semaphore_mem>>
      %dma_start3A = arith.constant 0 : i32
      %dma_start3A_199 = tpu.memref_slice %arg6[%add3A_193, %dma_start3A] : memref<20480x128xf32, #tpu.memory_space<hbm>> -> memref<40x128xf32, #tpu.memory_space<hbm>>
      %dma_start3A_200 = arith.constant 0 : i32
      %dma_start3A_201 = tpu.memref_slice %arg17[%add3A_190, %dma_start3A_200] : memref<10240x128xf32, #tpu.memory_space<vmem_shared>> -> memref<40x128xf32, #tpu.memory_space<vmem_shared>>
      tpu.enqueue_dma source(%dma_start3A_201 : memref<40x128xf32, #tpu.memory_space<vmem_shared>>) target(%dma_start3A_199 : memref<40x128xf32, #tpu.memory_space<hbm>>) target_semaphore(%run_scoped3A : memref<!tpu.dma_semaphore, #tpu.memory_space<semaphore_mem>>)
      %dma_wait3A = arith.constant 0 : i32
      %dma_wait3A_202 = tpu.memref_slice %arg6[%add3A_193, %dma_wait3A] : memref<20480x128xf32, #tpu.memory_space<hbm>> -> memref<40x128xf32, #tpu.memory_space<hbm>>
      %dma_wait3A_203 = arith.constant 0 : i32
      %dma_wait3A_204 = tpu.memref_slice %arg17[%add3A_190, %dma_wait3A_203] : memref<10240x128xf32, #tpu.memory_space<vmem_shared>> -> memref<40x128xf32, #tpu.memory_space<vmem_shared>>
      tpu.wait_dma2 semaphore(%run_scoped3A : memref<!tpu.dma_semaphore, #tpu.memory_space<semaphore_mem>>) src(%dma_wait3A_204 : memref<40x128xf32, #tpu.memory_space<vmem_shared>>) dst(%dma_wait3A_202 : memref<40x128xf32, #tpu.memory_space<hbm>>)
      tpu.yield
    }) : () -> ()
    %mul3A_194 = arith.constant 40 : i32
    %mul3A_195 = arith.muli %arg1, %mul3A_194 : i32
    %mul3A_196 = arith.constant 640 : i32
    %mul3A_197 = arith.muli %arg0, %mul3A_196 : i32
    %add3A_198 = arith.addi %mul3A_197, %mul3A_195 : i32
    "tpu.region"() ({
      %run_scoped3A = tpu.sem_alloc : memref<!tpu.dma_semaphore, #tpu.memory_space<semaphore_mem>>
      %dma_start3A = arith.constant 0 : i32
      %dma_start3A_199 = tpu.memref_slice %arg7[%add3A_198, %dma_start3A] : memref<1280x128xf32, #tpu.memory_space<hbm>> -> memref<40x128xf32, #tpu.memory_space<hbm>>
      %dma_start3A_200 = arith.constant 0 : i32
      %dma_start3A_201 = tpu.memref_slice %arg18[%mul3A_195, %dma_start3A_200] : memref<640x128xf32, #tpu.memory_space<vmem_shared>> -> memref<40x128xf32, #tpu.memory_space<vmem_shared>>
      tpu.enqueue_dma source(%dma_start3A_201 : memref<40x128xf32, #tpu.memory_space<vmem_shared>>) target(%dma_start3A_199 : memref<40x128xf32, #tpu.memory_space<hbm>>) target_semaphore(%run_scoped3A : memref<!tpu.dma_semaphore, #tpu.memory_space<semaphore_mem>>)
      %dma_wait3A = arith.constant 0 : i32
      %dma_wait3A_202 = tpu.memref_slice %arg7[%add3A_198, %dma_wait3A] : memref<1280x128xf32, #tpu.memory_space<hbm>> -> memref<40x128xf32, #tpu.memory_space<hbm>>
      %dma_wait3A_203 = arith.constant 0 : i32
      %dma_wait3A_204 = tpu.memref_slice %arg18[%mul3A_195, %dma_wait3A_203] : memref<640x128xf32, #tpu.memory_space<vmem_shared>> -> memref<40x128xf32, #tpu.memory_space<vmem_shared>>
      tpu.wait_dma2 semaphore(%run_scoped3A : memref<!tpu.dma_semaphore, #tpu.memory_space<semaphore_mem>>) src(%dma_wait3A_204 : memref<40x128xf32, #tpu.memory_space<vmem_shared>>) dst(%dma_wait3A_202 : memref<40x128xf32, #tpu.memory_space<hbm>>)
      tpu.yield
    }) : () -> ()
    return
  }
}

module attributes {stable_mosaic.version = 14 : i64} {
  func.func @_edge_body(%arg0: i32, %arg1: memref<2000x128xf32, #tpu.memory_space<vmem>>, %arg2: memref<128x128xf32, #tpu.memory_space<vmem>>, %arg3: memref<128x128xf32, #tpu.memory_space<vmem>>, %arg4: memref<2x2000x128xf32, #tpu.memory_space<vmem>>) attributes {dimension_semantics = [#tpu.dimension_semantics<arbitrary>], iteration_bounds = array<i64: 80>, scalar_prefetch = 0 : i64, scratch_operands = 0 : i64, tpu.core_type = #tpu.core_type<tc>, window_params = [{transform_indices = @transform_0, window_bounds = array<i64: 2000, 128>}, {pipeline_mode = #tpu.pipeline_mode<synchronous>, transform_indices = @transform_1, window_bounds = array<i64: 128, 128>}, {pipeline_mode = #tpu.pipeline_mode<synchronous>, transform_indices = @transform_2, window_bounds = array<i64: 128, 128>}, {transform_indices = @transform_3, window_bounds = array<i64: 2, 2000, 128>}]} {
    %get3A = arith.constant 0 : index
    %get3A_0 = arith.constant 0 : index
    %get3A_1 = vector.load %arg1[%get3A, %get3A_0] : memref<2000x128xf32, #tpu.memory_space<vmem>>, vector<2000x128xf32>
    %get3A_2 = arith.constant 0 : index
    %get3A_3 = arith.constant 0 : index
    %get3A_4 = vector.load %arg2[%get3A_2, %get3A_3] : memref<128x128xf32, #tpu.memory_space<vmem>>, vector<128x128xf32>
    %dot_general3A = arith.constant dense<0.000000e+00> : vector<2000x128xf32>
    %dot_general3A_5 = tpu.matmul %get3A_1, %get3A_4, %dot_general3A {dimension_numbers = #tpu.dot_dimension_numbers<[1], [0], [0], [1], [0, 0, 1, 1], [], []>, transpose_lhs_hint = false} : vector<2000x128xf32>, vector<128x128xf32>, vector<2000x128xf32> -> vector<2000x128xf32>
    %swap3A = arith.constant 0 : index
    %swap3A_6 = arith.constant 0 : index
    %swap3A_7 = arith.constant 0 : index
    %swap3A_8 = vector.load %arg4[%swap3A, %swap3A_6, %swap3A_7] : memref<2x2000x128xf32, #tpu.memory_space<vmem>>, vector<1x2000x128xf32>
    %swap3A_9 = vector.shape_cast %swap3A_8 : vector<1x2000x128xf32> to vector<2000x128xf32>
    %swap3A_10 = vector.shape_cast %dot_general3A_5 : vector<2000x128xf32> to vector<1x2000x128xf32>
    tpu.vector_store %arg4[%swap3A, %swap3A_6, %swap3A_7], %swap3A_10 {strides = array<i32>} : memref<2x2000x128xf32, #tpu.memory_space<vmem>>, vector<1x2000x128xf32>,
    %get3A_11 = arith.constant 0 : index
    %get3A_12 = arith.constant 0 : index
    %get3A_13 = vector.load %arg3[%get3A_11, %get3A_12] : memref<128x128xf32, #tpu.memory_space<vmem>>, vector<128x128xf32>
    %dot_general3A_14 = arith.constant dense<0.000000e+00> : vector<2000x128xf32>
    %dot_general3A_15 = tpu.matmul %get3A_1, %get3A_13, %dot_general3A_14 {dimension_numbers = #tpu.dot_dimension_numbers<[1], [0], [0], [1], [0, 0, 1, 1], [], []>, transpose_lhs_hint = false} : vector<2000x128xf32>, vector<128x128xf32>, vector<2000x128xf32> -> vector<2000x128xf32>
    %swap3A_16 = arith.constant 1 : index
    %swap3A_17 = arith.constant 0 : index
    %swap3A_18 = arith.constant 0 : index
    %swap3A_19 = vector.load %arg4[%swap3A_16, %swap3A_17, %swap3A_18] : memref<2x2000x128xf32, #tpu.memory_space<vmem>>, vector<1x2000x128xf32>
    %swap3A_20 = vector.shape_cast %swap3A_19 : vector<1x2000x128xf32> to vector<2000x128xf32>
    %swap3A_21 = vector.shape_cast %dot_general3A_15 : vector<2000x128xf32> to vector<1x2000x128xf32>
    tpu.vector_store %arg4[%swap3A_16, %swap3A_17, %swap3A_18], %swap3A_21 {strides = array<i32>} : memref<2x2000x128xf32, #tpu.memory_space<vmem>>, vector<1x2000x128xf32>,
    return
  }
  func.func @transform_0(%arg0: i32) -> (i32, i32) {
    %c0_i32 = arith.constant 0 : i32
    %c0_i32_0 = arith.constant 0 : i32
    return %arg0, %c0_i32 : i32, i32
  }
  func.func @transform_1(%arg0: i32) -> (i32, i32) {
    %c0_i32 = arith.constant 0 : i32
    %c0_i32_0 = arith.constant 0 : i32
    %c0_i32_1 = arith.constant 0 : i32
    return %c0_i32, %c0_i32_0 : i32, i32
  }
  func.func @transform_2(%arg0: i32) -> (i32, i32) {
    %c0_i32 = arith.constant 0 : i32
    %c0_i32_0 = arith.constant 0 : i32
    %c0_i32_1 = arith.constant 0 : i32
    return %c0_i32, %c0_i32_0 : i32, i32
  }
  func.func @transform_3(%arg0: i32) -> (i32, i32, i32) {
    %c0_i32 = arith.constant 0 : i32
    %c0_i32_0 = arith.constant 0 : i32
    %c0_i32_1 = arith.constant 0 : i32
    return %c0_i32, %arg0, %c0_i32_0 : i32, i32, i32
  }
}

module attributes {stable_mosaic.version = 14 : i64} {
  func.func @_pre_body(%arg0: i32, %arg1: i32, %arg2: memref<1x2000x128xf32, #tpu.memory_space<vmem>>, %arg3: memref<1x128x128xf32, #tpu.memory_space<vmem>>, %arg4: memref<1x128x128xf32, #tpu.memory_space<vmem>>, %arg5: memref<1x128x128xf32, #tpu.memory_space<vmem>>, %arg6: memref<1x128x128xf32, #tpu.memory_space<vmem>>, %arg7: memref<1x128x128xf32, #tpu.memory_space<vmem>>, %arg8: memref<1x128x128xf32, #tpu.memory_space<vmem>>, %arg9: memref<1x2000x128xf32, #tpu.memory_space<vmem>>, %arg10: memref<1x2000x128xf32, #tpu.memory_space<vmem>>, %arg11: memref<1x2000x256xf32, #tpu.memory_space<vmem>>, %arg12: memref<1x128x128xf32, #tpu.memory_space<vmem>>, %arg13: memref<1x1x128xf32, #tpu.memory_space<vmem>>) attributes {dimension_semantics = [#tpu.dimension_semantics<arbitrary>, #tpu.dimension_semantics<arbitrary>], iteration_bounds = array<i64: 2, 5>, scalar_prefetch = 0 : i64, scratch_operands = 0 : i64, tpu.core_type = #tpu.core_type<tc>, window_params = [{transform_indices = @transform_0, window_bounds = array<i64: 1, 2000, 128>}, {transform_indices = @transform_1, window_bounds = array<i64: 1, 128, 128>}, {transform_indices = @transform_2, window_bounds = array<i64: 1, 128, 128>}, {transform_indices = @transform_3, window_bounds = array<i64: 1, 128, 128>}, {transform_indices = @transform_4, window_bounds = array<i64: 1, 128, 128>}, {transform_indices = @transform_5, window_bounds = array<i64: 1, 128, 128>}, {transform_indices = @transform_6, window_bounds = array<i64: 1, 128, 128>}, {transform_indices = @transform_7, window_bounds = array<i64: 1, 2000, 128>}, {transform_indices = @transform_8, window_bounds = array<i64: 1, 2000, 128>}, {transform_indices = @transform_9, window_bounds = array<i64: 1, 2000, 256>}, {transform_indices = @transform_10, window_bounds = array<i64: 1, 128, 128>}, {transform_indices = @transform_11, window_bounds = array<i64: 1, 1, 128>}]} {
    %get3A = arith.constant 0 : index
    %get3A_0 = arith.constant 0 : index
    %get3A_1 = arith.constant 0 : index
    %get3A_2 = vector.load %arg2[%get3A, %get3A_0, %get3A_1] : memref<1x2000x128xf32, #tpu.memory_space<vmem>>, vector<1x2000x128xf32>
    %get3A_3 = vector.shape_cast %get3A_2 : vector<1x2000x128xf32> to vector<2000x128xf32>
    %get3A_4 = arith.constant 0 : index
    %get3A_5 = arith.constant 0 : index
    %get3A_6 = arith.constant 0 : index
    %get3A_7 = vector.load %arg3[%get3A_4, %get3A_5, %get3A_6] : memref<1x128x128xf32, #tpu.memory_space<vmem>>, vector<1x128x128xf32>
    %get3A_8 = vector.shape_cast %get3A_7 : vector<1x128x128xf32> to vector<128x128xf32>
    %dot_general3A = arith.constant dense<0.000000e+00> : vector<2000x128xf32>
    %dot_general3A_9 = tpu.matmul %get3A_3, %get3A_8, %dot_general3A {dimension_numbers = #tpu.dot_dimension_numbers<[1], [0], [0], [1], [0, 0, 1, 1], [], []>, transpose_lhs_hint = false} : vector<2000x128xf32>, vector<128x128xf32>, vector<2000x128xf32> -> vector<2000x128xf32>
    %logistic3A = arith.negf %dot_general3A_9 : vector<2000x128xf32>
    %logistic3A_10 = math.exp %logistic3A : vector<2000x128xf32>
    %logistic3A_11 = arith.constant 1.000000e+00 : f32
    %logistic3A_12 = vector.broadcast %logistic3A_11 : f32 to vector<2000x128xf32>
    %logistic3A_13 = arith.addf %logistic3A_12, %logistic3A_10 : vector<2000x128xf32>
    %logistic3A_14 = arith.divf %logistic3A_12, %logistic3A_13 : vector<2000x128xf32>
    %get3A_15 = arith.constant 0 : index
    %get3A_16 = arith.constant 0 : index
    %get3A_17 = arith.constant 0 : index
    %get3A_18 = vector.load %arg4[%get3A_15, %get3A_16, %get3A_17] : memref<1x128x128xf32, #tpu.memory_space<vmem>>, vector<1x128x128xf32>
    %get3A_19 = vector.shape_cast %get3A_18 : vector<1x128x128xf32> to vector<128x128xf32>
    %dot_general3A_20 = arith.constant dense<0.000000e+00> : vector<2000x128xf32>
    %dot_general3A_21 = tpu.matmul %get3A_3, %get3A_19, %dot_general3A_20 {dimension_numbers = #tpu.dot_dimension_numbers<[1], [0], [0], [1], [0, 0, 1, 1], [], []>, transpose_lhs_hint = false} : vector<2000x128xf32>, vector<128x128xf32>, vector<2000x128xf32> -> vector<2000x128xf32>
    %logistic3A_22 = arith.negf %dot_general3A_21 : vector<2000x128xf32>
    %logistic3A_23 = math.exp %logistic3A_22 : vector<2000x128xf32>
    %logistic3A_24 = arith.constant 1.000000e+00 : f32
    %logistic3A_25 = vector.broadcast %logistic3A_24 : f32 to vector<2000x128xf32>
    %logistic3A_26 = arith.addf %logistic3A_25, %logistic3A_23 : vector<2000x128xf32>
    %logistic3A_27 = arith.divf %logistic3A_25, %logistic3A_26 : vector<2000x128xf32>
    %get3A_28 = arith.constant 0 : index
    %get3A_29 = arith.constant 0 : index
    %get3A_30 = arith.constant 0 : index
    %get3A_31 = vector.load %arg5[%get3A_28, %get3A_29, %get3A_30] : memref<1x128x128xf32, #tpu.memory_space<vmem>>, vector<1x128x128xf32>
    %get3A_32 = vector.shape_cast %get3A_31 : vector<1x128x128xf32> to vector<128x128xf32>
    %dot_general3A_33 = arith.constant dense<0.000000e+00> : vector<2000x128xf32>
    %dot_general3A_34 = tpu.matmul %get3A_3, %get3A_32, %dot_general3A_33 {dimension_numbers = #tpu.dot_dimension_numbers<[1], [0], [0], [1], [0, 0, 1, 1], [], []>, transpose_lhs_hint = false} : vector<2000x128xf32>, vector<128x128xf32>, vector<2000x128xf32> -> vector<2000x128xf32>
    %swap3A = arith.constant 0 : index
    %swap3A_35 = arith.constant 0 : index
    %swap3A_36 = arith.constant 0 : index
    %swap3A_37 = vector.load %arg9[%swap3A, %swap3A_35, %swap3A_36] : memref<1x2000x128xf32, #tpu.memory_space<vmem>>, vector<1x2000x128xf32>
    %swap3A_38 = vector.shape_cast %swap3A_37 : vector<1x2000x128xf32> to vector<2000x128xf32>
    %swap3A_39 = vector.shape_cast %logistic3A_14 : vector<2000x128xf32> to vector<1x2000x128xf32>
    tpu.vector_store %arg9[%swap3A, %swap3A_35, %swap3A_36], %swap3A_39 {strides = array<i32>} : memref<1x2000x128xf32, #tpu.memory_space<vmem>>, vector<1x2000x128xf32>,
    %dot_general3A_40 = arith.constant dense<0.000000e+00> : vector<128x128xf32>
    %dot_general3A_41 = tpu.matmul %logistic3A_27, %dot_general3A_34, %dot_general3A_40 {dimension_numbers = #tpu.dot_dimension_numbers<[0], [0], [1], [1], [0, 1, 1, 1], [], []>, transpose_lhs_hint = false} : vector<2000x128xf32>, vector<2000x128xf32>, vector<128x128xf32> -> vector<128x128xf32>
    %reduce_sum3A = arith.constant dense<0.000000e+00> : vector<128xf32>
    %reduce_sum3A_42 = vector.multi_reduction <add>, %logistic3A_27, %reduce_sum3A [0] : vector<2000x128xf32> to vector<128xf32>
    %broadcast_in_dim3A = vector.shape_cast %reduce_sum3A_42 : vector<128xf32> to vector<1x128xf32>
    %eq3A = arith.constant 0 : i32
    %eq3A_43 = arith.cmpi eq, %arg1, %eq3A : i32
    %convert_element_type3A = arith.extui %eq3A_43 : i1 to i32
    %cond3A = arith.constant 0 : i32
    %cond3A_44 = arith.cmpi ne, %convert_element_type3A, %cond3A : i32
    scf.if %cond3A_44 {
      %swap3A_88 = arith.constant 0 : index
      %swap3A_89 = arith.constant 0 : index
      %swap3A_90 = arith.constant 0 : index
      %swap3A_91 = vector.load %arg12[%swap3A_88, %swap3A_89, %swap3A_90] : memref<1x128x128xf32, #tpu.memory_space<vmem>>, vector<1x128x128xf32>
      %swap3A_92 = vector.shape_cast %swap3A_91 : vector<1x128x128xf32> to vector<128x128xf32>
      %swap3A_93 = vector.shape_cast %dot_general3A_41 : vector<128x128xf32> to vector<1x128x128xf32>
      tpu.vector_store %arg12[%swap3A_88, %swap3A_89, %swap3A_90], %swap3A_93 {strides = array<i32>} : memref<1x128x128xf32, #tpu.memory_space<vmem>>, vector<1x128x128xf32>,
      %swap3A_94 = arith.constant 0 : index
      %swap3A_95 = arith.constant 0 : index
      %swap3A_96 = arith.constant 0 : index
      %swap3A_97 = vector.load %arg13[%swap3A_94, %swap3A_95, %swap3A_96] : memref<1x1x128xf32, #tpu.memory_space<vmem>>, vector<1x1x128xf32>
      %swap3A_98 = vector.shape_cast %swap3A_97 : vector<1x1x128xf32> to vector<1x128xf32>
      %swap3A_99 = vector.shape_cast %broadcast_in_dim3A : vector<1x128xf32> to vector<1x1x128xf32>
      tpu.vector_store %arg13[%swap3A_94, %swap3A_95, %swap3A_96], %swap3A_99 {strides = array<i32>} : memref<1x1x128xf32, #tpu.memory_space<vmem>>, vector<1x1x128xf32>,
    } else {
    }
    %ne3A = arith.constant 0 : i32
    %ne3A_45 = arith.cmpi ne, %arg1, %ne3A : i32
    %convert_element_type3A_46 = arith.extui %ne3A_45 : i1 to i32
    %cond3A_47 = arith.constant 0 : i32
    %cond3A_48 = arith.cmpi ne, %convert_element_type3A_46, %cond3A_47 : i32
    scf.if %cond3A_48 {
      %get3A_88 = arith.constant 0 : index
      %get3A_89 = arith.constant 0 : index
      %get3A_90 = arith.constant 0 : index
      %get3A_91 = vector.load %arg12[%get3A_88, %get3A_89, %get3A_90] : memref<1x128x128xf32, #tpu.memory_space<vmem>>, vector<1x128x128xf32>
      %get3A_92 = vector.shape_cast %get3A_91 : vector<1x128x128xf32> to vector<128x128xf32>
      %add3A = arith.addf %get3A_92, %dot_general3A_41 : vector<128x128xf32>
      %swap3A_93 = arith.constant 0 : index
      %swap3A_94 = arith.constant 0 : index
      %swap3A_95 = arith.constant 0 : index
      %swap3A_96 = vector.load %arg12[%swap3A_93, %swap3A_94, %swap3A_95] : memref<1x128x128xf32, #tpu.memory_space<vmem>>, vector<1x128x128xf32>
      %swap3A_97 = vector.shape_cast %swap3A_96 : vector<1x128x128xf32> to vector<128x128xf32>
      %swap3A_98 = vector.shape_cast %add3A : vector<128x128xf32> to vector<1x128x128xf32>
      tpu.vector_store %arg12[%swap3A_93, %swap3A_94, %swap3A_95], %swap3A_98 {strides = array<i32>} : memref<1x128x128xf32, #tpu.memory_space<vmem>>, vector<1x128x128xf32>,
      %get3A_99 = arith.constant 0 : index
      %get3A_100 = arith.constant 0 : index
      %get3A_101 = arith.constant 0 : index
      %get3A_102 = vector.load %arg13[%get3A_99, %get3A_100, %get3A_101] : memref<1x1x128xf32, #tpu.memory_space<vmem>>, vector<1x1x128xf32>
      %get3A_103 = vector.shape_cast %get3A_102 : vector<1x1x128xf32> to vector<1x128xf32>
      %add3A_104 = arith.addf %get3A_103, %broadcast_in_dim3A : vector<1x128xf32>
      %swap3A_105 = arith.constant 0 : index
      %swap3A_106 = arith.constant 0 : index
      %swap3A_107 = arith.constant 0 : index
      %swap3A_108 = vector.load %arg13[%swap3A_105, %swap3A_106, %swap3A_107] : memref<1x1x128xf32, #tpu.memory_space<vmem>>, vector<1x1x128xf32>
      %swap3A_109 = vector.shape_cast %swap3A_108 : vector<1x1x128xf32> to vector<1x128xf32>
      %swap3A_110 = vector.shape_cast %add3A_104 : vector<1x128xf32> to vector<1x1x128xf32>
      tpu.vector_store %arg13[%swap3A_105, %swap3A_106, %swap3A_107], %swap3A_110 {strides = array<i32>} : memref<1x1x128xf32, #tpu.memory_space<vmem>>, vector<1x1x128xf32>,
    } else {
    }
    %get3A_49 = arith.constant 0 : index
    %get3A_50 = arith.constant 0 : index
    %get3A_51 = arith.constant 0 : index
    %get3A_52 = vector.load %arg6[%get3A_49, %get3A_50, %get3A_51] : memref<1x128x128xf32, #tpu.memory_space<vmem>>, vector<1x128x128xf32>
    %get3A_53 = vector.shape_cast %get3A_52 : vector<1x128x128xf32> to vector<128x128xf32>
    %dot_general3A_54 = arith.constant dense<0.000000e+00> : vector<2000x128xf32>
    %dot_general3A_55 = tpu.matmul %get3A_3, %get3A_53, %dot_general3A_54 {dimension_numbers = #tpu.dot_dimension_numbers<[1], [0], [0], [1], [0, 0, 1, 1], [], []>, transpose_lhs_hint = false} : vector<2000x128xf32>, vector<128x128xf32>, vector<2000x128xf32> -> vector<2000x128xf32>
    %swap3A_56 = arith.constant 0 : index
    %swap3A_57 = arith.constant 0 : index
    %swap3A_58 = arith.constant 0 : index
    %swap3A_59 = vector.load %arg10[%swap3A_56, %swap3A_57, %swap3A_58] : memref<1x2000x128xf32, #tpu.memory_space<vmem>>, vector<1x2000x128xf32>
    %swap3A_60 = vector.shape_cast %swap3A_59 : vector<1x2000x128xf32> to vector<2000x128xf32>
    %swap3A_61 = vector.shape_cast %dot_general3A_55 : vector<2000x128xf32> to vector<1x2000x128xf32>
    tpu.vector_store %arg10[%swap3A_56, %swap3A_57, %swap3A_58], %swap3A_61 {strides = array<i32>} : memref<1x2000x128xf32, #tpu.memory_space<vmem>>, vector<1x2000x128xf32>,
    %get3A_62 = arith.constant 0 : index
    %get3A_63 = arith.constant 0 : index
    %get3A_64 = arith.constant 0 : index
    %get3A_65 = vector.load %arg7[%get3A_62, %get3A_63, %get3A_64] : memref<1x128x128xf32, #tpu.memory_space<vmem>>, vector<1x128x128xf32>
    %get3A_66 = vector.shape_cast %get3A_65 : vector<1x128x128xf32> to vector<128x128xf32>
    %dot_general3A_67 = arith.constant dense<0.000000e+00> : vector<2000x128xf32>
    %dot_general3A_68 = tpu.matmul %get3A_3, %get3A_66, %dot_general3A_67 {dimension_numbers = #tpu.dot_dimension_numbers<[1], [0], [0], [1], [0, 0, 1, 1], [], []>, transpose_lhs_hint = false} : vector<2000x128xf32>, vector<128x128xf32>, vector<2000x128xf32> -> vector<2000x128xf32>
    %swap3A_69 = arith.constant 0 : index
    %swap3A_70 = arith.constant 0 : index
    %swap3A_71 = arith.constant 0 : index
    %swap3A_72 = vector.load %arg11[%swap3A_69, %swap3A_70, %swap3A_71] : memref<1x2000x256xf32, #tpu.memory_space<vmem>>, vector<1x2000x128xf32>
    %swap3A_73 = vector.shape_cast %swap3A_72 : vector<1x2000x128xf32> to vector<2000x128xf32>
    %swap3A_74 = vector.shape_cast %dot_general3A_68 : vector<2000x128xf32> to vector<1x2000x128xf32>
    tpu.vector_store %arg11[%swap3A_69, %swap3A_70, %swap3A_71], %swap3A_74 {strides = array<i32>} : memref<1x2000x256xf32, #tpu.memory_space<vmem>>, vector<1x2000x128xf32>,
    %get3A_75 = arith.constant 0 : index
    %get3A_76 = arith.constant 0 : index
    %get3A_77 = arith.constant 0 : index
    %get3A_78 = vector.load %arg8[%get3A_75, %get3A_76, %get3A_77] : memref<1x128x128xf32, #tpu.memory_space<vmem>>, vector<1x128x128xf32>
    %get3A_79 = vector.shape_cast %get3A_78 : vector<1x128x128xf32> to vector<128x128xf32>
    %dot_general3A_80 = arith.constant dense<0.000000e+00> : vector<2000x128xf32>
    %dot_general3A_81 = tpu.matmul %get3A_3, %get3A_79, %dot_general3A_80 {dimension_numbers = #tpu.dot_dimension_numbers<[1], [0], [0], [1], [0, 0, 1, 1], [], []>, transpose_lhs_hint = false} : vector<2000x128xf32>, vector<128x128xf32>, vector<2000x128xf32> -> vector<2000x128xf32>
    %swap3A_82 = arith.constant 0 : index
    %swap3A_83 = arith.constant 0 : index
    %swap3A_84 = arith.constant 128 : index
    %swap3A_85 = vector.load %arg11[%swap3A_82, %swap3A_83, %swap3A_84] : memref<1x2000x256xf32, #tpu.memory_space<vmem>>, vector<1x2000x128xf32>
    %swap3A_86 = vector.shape_cast %swap3A_85 : vector<1x2000x128xf32> to vector<2000x128xf32>
    %swap3A_87 = vector.shape_cast %dot_general3A_81 : vector<2000x128xf32> to vector<1x2000x128xf32>
    tpu.vector_store %arg11[%swap3A_82, %swap3A_83, %swap3A_84], %swap3A_87 {strides = array<i32>} : memref<1x2000x256xf32, #tpu.memory_space<vmem>>, vector<1x2000x128xf32>,
    return
  }
  func.func @transform_0(%arg0: i32, %arg1: i32) -> (i32, i32, i32) {
    %c0_i32 = arith.constant 0 : i32
    %c0_i32_0 = arith.constant 0 : i32
    return %arg0, %arg1, %c0_i32 : i32, i32, i32
  }
  func.func @transform_1(%arg0: i32, %arg1: i32) -> (i32, i32, i32) {
    %c0_i32 = arith.constant 0 : i32
    %c0_i32_0 = arith.constant 0 : i32
    %c0_i32_1 = arith.constant 0 : i32
    return %arg0, %c0_i32, %c0_i32_0 : i32, i32, i32
  }
  func.func @transform_2(%arg0: i32, %arg1: i32) -> (i32, i32, i32) {
    %c0_i32 = arith.constant 0 : i32
    %c0_i32_0 = arith.constant 0 : i32
    %c0_i32_1 = arith.constant 0 : i32
    return %arg0, %c0_i32, %c0_i32_0 : i32, i32, i32
  }
  func.func @transform_3(%arg0: i32, %arg1: i32) -> (i32, i32, i32) {
    %c0_i32 = arith.constant 0 : i32
    %c0_i32_0 = arith.constant 0 : i32
    %c0_i32_1 = arith.constant 0 : i32
    return %arg0, %c0_i32, %c0_i32_0 : i32, i32, i32
  }
  func.func @transform_4(%arg0: i32, %arg1: i32) -> (i32, i32, i32) {
    %c0_i32 = arith.constant 0 : i32
    %c0_i32_0 = arith.constant 0 : i32
    %c0_i32_1 = arith.constant 0 : i32
    return %arg0, %c0_i32, %c0_i32_0 : i32, i32, i32
  }
  func.func @transform_5(%arg0: i32, %arg1: i32) -> (i32, i32, i32) {
    %c0_i32 = arith.constant 0 : i32
    %c0_i32_0 = arith.constant 0 : i32
    %c0_i32_1 = arith.constant 0 : i32
    return %arg0, %c0_i32, %c0_i32_0 : i32, i32, i32
  }
  func.func @transform_6(%arg0: i32, %arg1: i32) -> (i32, i32, i32) {
    %c0_i32 = arith.constant 0 : i32
    %c0_i32_0 = arith.constant 0 : i32
    %c0_i32_1 = arith.constant 0 : i32
    return %arg0, %c0_i32, %c0_i32_0 : i32, i32, i32
  }
  func.func @transform_7(%arg0: i32, %arg1: i32) -> (i32, i32, i32) {
    %c0_i32 = arith.constant 0 : i32
    %c0_i32_0 = arith.constant 0 : i32
    return %arg0, %arg1, %c0_i32 : i32, i32, i32
  }
  func.func @transform_8(%arg0: i32, %arg1: i32) -> (i32, i32, i32) {
    %c0_i32 = arith.constant 0 : i32
    %c0_i32_0 = arith.constant 0 : i32
    return %arg0, %arg1, %c0_i32 : i32, i32, i32
  }
  func.func @transform_9(%arg0: i32, %arg1: i32) -> (i32, i32, i32) {
    %c0_i32 = arith.constant 0 : i32
    %c0_i32_0 = arith.constant 0 : i32
    return %arg0, %arg1, %c0_i32 : i32, i32, i32
  }
  func.func @transform_10(%arg0: i32, %arg1: i32) -> (i32, i32, i32) {
    %c0_i32 = arith.constant 0 : i32
    %c0_i32_0 = arith.constant 0 : i32
    %c0_i32_1 = arith.constant 0 : i32
    return %arg0, %c0_i32, %c0_i32_0 : i32, i32, i32
  }
  func.func @transform_11(%arg0: i32, %arg1: i32) -> (i32, i32, i32) {
    %c0_i32 = arith.constant 0 : i32
    %c0_i32_0 = arith.constant 0 : i32
    %c0_i32_1 = arith.constant 0 : i32
    return %arg0, %c0_i32, %c0_i32_0 : i32, i32, i32
  }
}

module attributes {stable_mosaic.version = 14 : i64} {
  func.func @_post_body(%arg0: i32, %arg1: i32, %arg2: memref<1x2000x128xf32, #tpu.memory_space<vmem>>, %arg3: memref<1x2000x128xf32, #tpu.memory_space<vmem>>, %arg4: memref<1x128x128xf32, #tpu.memory_space<vmem>>, %arg5: memref<1x1x128xf32, #tpu.memory_space<vmem>>, %arg6: memref<1x2000x128xf32, #tpu.memory_space<vmem>>, %arg7: memref<1x2000x8xf32, #tpu.memory_space<vmem>>, %arg8: memref<1x128x128xf32, #tpu.memory_space<vmem>>, %arg9: memref<1x1x128xf32, #tpu.memory_space<vmem>>, %arg10: memref<1x1x128xf32, #tpu.memory_space<vmem>>, %arg11: memref<1x128x128xf32, #tpu.memory_space<vmem>>, %arg12: memref<1x1x128xf32, #tpu.memory_space<vmem>>, %arg13: memref<1x1x128xf32, #tpu.memory_space<vmem>>, %arg14: memref<1x128x128xf32, #tpu.memory_space<vmem>>, %arg15: memref<1x128x128xf32, #tpu.memory_space<vmem>>, %arg16: memref<1x1x128xf32, #tpu.memory_space<vmem>>, %arg17: memref<1x1x128xf32, #tpu.memory_space<vmem>>, %arg18: memref<1x1x128xf32, #tpu.memory_space<vmem>>, %arg19: memref<1x128x512xf32, #tpu.memory_space<vmem>>, %arg20: memref<1x512x128xf32, #tpu.memory_space<vmem>>, %arg21: memref<1x1x128xf32, #tpu.memory_space<vmem>>, %arg22: memref<1x1x128xf32, #tpu.memory_space<vmem>>, %arg23: memref<1x2000x128xf32, #tpu.memory_space<vmem>>) attributes {dimension_semantics = [#tpu.dimension_semantics<arbitrary>, #tpu.dimension_semantics<arbitrary>], iteration_bounds = array<i64: 2, 5>, scalar_prefetch = 0 : i64, scratch_operands = 0 : i64, tpu.core_type = #tpu.core_type<tc>, window_params = [{transform_indices = @transform_0, window_bounds = array<i64: 1, 2000, 128>}, {transform_indices = @transform_1, window_bounds = array<i64: 1, 2000, 128>}, {transform_indices = @transform_2, window_bounds = array<i64: 1, 128, 128>}, {transform_indices = @transform_3, window_bounds = array<i64: 1, 1, 128>}, {transform_indices = @transform_4, window_bounds = array<i64: 1, 2000, 128>}, {transform_indices = @transform_5, window_bounds = array<i64: 1, 2000, 8>}, {transform_indices = @transform_6, window_bounds = array<i64: 1, 128, 128>}, {transform_indices = @transform_7, window_bounds = array<i64: 1, 1, 128>}, {transform_indices = @transform_8, window_bounds = array<i64: 1, 1, 128>}, {transform_indices = @transform_9, window_bounds = array<i64: 1, 128, 128>}, {transform_indices = @transform_10, window_bounds = array<i64: 1, 1, 128>}, {transform_indices = @transform_11, window_bounds = array<i64: 1, 1, 128>}, {transform_indices = @transform_12, window_bounds = array<i64: 1, 128, 128>}, {transform_indices = @transform_13, window_bounds = array<i64: 1, 128, 128>}, {transform_indices = @transform_14, window_bounds = array<i64: 1, 1, 128>}, {transform_indices = @transform_15, window_bounds = array<i64: 1, 1, 128>}, {transform_indices = @transform_16, window_bounds = array<i64: 1, 1, 128>}, {transform_indices = @transform_17, window_bounds = array<i64: 1, 128, 512>}, {transform_indices = @transform_18, window_bounds = array<i64: 1, 512, 128>}, {transform_indices = @transform_19, window_bounds = array<i64: 1, 1, 128>}, {transform_indices = @transform_20, window_bounds = array<i64: 1, 1, 128>}, {transform_indices = @transform_21, window_bounds = array<i64: 1, 2000, 128>}]} {
    %get3A = arith.constant 0 : index
    %get3A_0 = arith.constant 0 : index
    %get3A_1 = arith.constant 0 : index
    %get3A_2 = vector.load %arg2[%get3A, %get3A_0, %get3A_1] : memref<1x2000x128xf32, #tpu.memory_space<vmem>>, vector<1x2000x128xf32>
    %get3A_3 = vector.shape_cast %get3A_2 : vector<1x2000x128xf32> to vector<2000x128xf32>
    %get3A_4 = arith.constant 0 : index
    %get3A_5 = arith.constant 0 : index
    %get3A_6 = arith.constant 0 : index
    %get3A_7 = vector.load %arg3[%get3A_4, %get3A_5, %get3A_6] : memref<1x2000x128xf32, #tpu.memory_space<vmem>>, vector<1x2000x128xf32>
    %get3A_8 = vector.shape_cast %get3A_7 : vector<1x2000x128xf32> to vector<2000x128xf32>
    %iota3A = tpu.iota {dimensions = array<i32: 0>} : vector<128x128xi32>
    %jit3A = arith.constant 16 : i32
    %div3A = vector.broadcast %jit3A : i32 to vector<128x128xi32>
    %div3A_9 = arith.divsi %iota3A, %div3A : vector<128x128xi32>
    %sign3A = arith.constant 0 : i32
    %sign3A_10 = vector.broadcast %sign3A : i32 to vector<128x128xi32>
    %sign3A_11 = arith.cmpi sgt, %iota3A, %sign3A_10 : vector<128x128xi32>
    %sign3A_12 = arith.extui %sign3A_11 : vector<128x128xi1> to vector<128x128xi32>
    %sign3A_13 = arith.constant 0 : i32
    %sign3A_14 = vector.broadcast %sign3A_13 : i32 to vector<128x128xi32>
    %sign3A_15 = arith.cmpi slt, %iota3A, %sign3A_14 : vector<128x128xi32>
    %sign3A_16 = arith.extui %sign3A_15 : vector<128x128xi1> to vector<128x128xi32>
    %sign3A_17 = arith.subi %sign3A_12, %sign3A_16 : vector<128x128xi32>
    %sign3A_18 = arith.constant 0 : i32
    %sign3A_19 = arith.cmpi sgt, %jit3A, %sign3A_18 : i32
    %sign3A_20 = arith.extui %sign3A_19 : i1 to i32
    %sign3A_21 = arith.constant 0 : i32
    %sign3A_22 = arith.cmpi slt, %jit3A, %sign3A_21 : i32
    %sign3A_23 = arith.extui %sign3A_22 : i1 to i32
    %sign3A_24 = arith.subi %sign3A_20, %sign3A_23 : i32
    %ne3A = vector.broadcast %sign3A_24 : i32 to vector<128x128xi32>
    %ne3A_25 = arith.cmpi ne, %sign3A_17, %ne3A : vector<128x128xi32>
    %rem3A = vector.broadcast %jit3A : i32 to vector<128x128xi32>
    %rem3A_26 = arith.remsi %iota3A, %rem3A : vector<128x128xi32>
    %ne3A_27 = arith.constant 0 : i32
    %ne3A_28 = vector.broadcast %ne3A_27 : i32 to vector<128x128xi32>
    %ne3A_29 = arith.cmpi ne, %rem3A_26, %ne3A_28 : vector<128x128xi32>
    %and3A = arith.andi %ne3A_25, %ne3A_29 : vector<128x128xi1>
    %sub3A = arith.constant 1 : i32
    %sub3A_30 = vector.broadcast %sub3A : i32 to vector<128x128xi32>
    %sub3A_31 = arith.subi %div3A_9, %sub3A_30 : vector<128x128xi32>
    %select_n3A = arith.select %and3A, %sub3A_31, %div3A_9 : vector<128x128xi1>, vector<128x128xi32>
    %iota3A_32 = tpu.iota {dimensions = array<i32: 1>} : vector<128x128xi32>
    %jit3A_33 = arith.constant 16 : i32
    %div3A_34 = vector.broadcast %jit3A_33 : i32 to vector<128x128xi32>
    %div3A_35 = arith.divsi %iota3A_32, %div3A_34 : vector<128x128xi32>
    %sign3A_36 = arith.constant 0 : i32
    %sign3A_37 = vector.broadcast %sign3A_36 : i32 to vector<128x128xi32>
    %sign3A_38 = arith.cmpi sgt, %iota3A_32, %sign3A_37 : vector<128x128xi32>
    %sign3A_39 = arith.extui %sign3A_38 : vector<128x128xi1> to vector<128x128xi32>
    %sign3A_40 = arith.constant 0 : i32
    %sign3A_41 = vector.broadcast %sign3A_40 : i32 to vector<128x128xi32>
    %sign3A_42 = arith.cmpi slt, %iota3A_32, %sign3A_41 : vector<128x128xi32>
    %sign3A_43 = arith.extui %sign3A_42 : vector<128x128xi1> to vector<128x128xi32>
    %sign3A_44 = arith.subi %sign3A_39, %sign3A_43 : vector<128x128xi32>
    %sign3A_45 = arith.constant 0 : i32
    %sign3A_46 = arith.cmpi sgt, %jit3A_33, %sign3A_45 : i32
    %sign3A_47 = arith.extui %sign3A_46 : i1 to i32
    %sign3A_48 = arith.constant 0 : i32
    %sign3A_49 = arith.cmpi slt, %jit3A_33, %sign3A_48 : i32
    %sign3A_50 = arith.extui %sign3A_49 : i1 to i32
    %sign3A_51 = arith.subi %sign3A_47, %sign3A_50 : i32
    %ne3A_52 = vector.broadcast %sign3A_51 : i32 to vector<128x128xi32>
    %ne3A_53 = arith.cmpi ne, %sign3A_44, %ne3A_52 : vector<128x128xi32>
    %rem3A_54 = vector.broadcast %jit3A_33 : i32 to vector<128x128xi32>
    %rem3A_55 = arith.remsi %iota3A_32, %rem3A_54 : vector<128x128xi32>
    %ne3A_56 = arith.constant 0 : i32
    %ne3A_57 = vector.broadcast %ne3A_56 : i32 to vector<128x128xi32>
    %ne3A_58 = arith.cmpi ne, %rem3A_55, %ne3A_57 : vector<128x128xi32>
    %and3A_59 = arith.andi %ne3A_53, %ne3A_58 : vector<128x128xi1>
    %sub3A_60 = arith.constant 1 : i32
    %sub3A_61 = vector.broadcast %sub3A_60 : i32 to vector<128x128xi32>
    %sub3A_62 = arith.subi %div3A_35, %sub3A_61 : vector<128x128xi32>
    %select_n3A_63 = arith.select %and3A_59, %sub3A_62, %div3A_35 : vector<128x128xi1>, vector<128x128xi32>
    %eq3A = arith.cmpi eq, %select_n3A, %select_n3A_63 : vector<128x128xi32>
    %convert_element_type3A = arith.extui %eq3A : vector<128x128xi1> to vector<128x128xi32>
    %convert_element_type3A_64 = arith.sitofp %convert_element_type3A : vector<128x128xi32> to vector<128x128xf32>
    %get3A_65 = arith.constant 0 : index
    %get3A_66 = arith.constant 0 : index
    %get3A_67 = arith.constant 0 : index
    %get3A_68 = vector.load %arg4[%get3A_65, %get3A_66, %get3A_67] : memref<1x128x128xf32, #tpu.memory_space<vmem>>, vector<1x128x128xf32>
    %get3A_69 = vector.shape_cast %get3A_68 : vector<1x128x128xf32> to vector<128x128xf32>
    %mul3A = arith.mulf %get3A_69, %convert_element_type3A_64 : vector<128x128xf32>
    %dot_general3A = arith.constant dense<0.000000e+00> : vector<2000x128xf32>
    %dot_general3A_70 = tpu.matmul %get3A_8, %mul3A, %dot_general3A {dimension_numbers = #tpu.dot_dimension_numbers<[1], [0], [0], [1], [0, 0, 1, 1], [], []>, transpose_lhs_hint = false} : vector<2000x128xf32>, vector<128x128xf32>, vector<2000x128xf32> -> vector<2000x128xf32>
    %get3A_71 = arith.constant 0 : index
    %get3A_72 = arith.constant 0 : index
    %get3A_73 = arith.constant 0 : index
    %get3A_74 = vector.load %arg5[%get3A_71, %get3A_72, %get3A_73] : memref<1x1x128xf32, #tpu.memory_space<vmem>>, vector<1x1x128xf32>
    %get3A_75 = vector.shape_cast %get3A_74 : vector<1x1x128xf32> to vector<1x128xf32>
    %mul3A_76 = vector.broadcast %get3A_75 : vector<1x128xf32> to vector<2000x128xf32>
    %mul3A_77 = arith.mulf %get3A_8, %mul3A_76 : vector<2000x128xf32>
    %dot_general3A_78 = arith.constant dense<0.000000e+00> : vector<2000x128xf32>
    %dot_general3A_79 = tpu.matmul %mul3A_77, %convert_element_type3A_64, %dot_general3A_78 {dimension_numbers = #tpu.dot_dimension_numbers<[1], [0], [0], [1], [0, 0, 1, 1], [], []>, transpose_lhs_hint = false} : vector<2000x128xf32>, vector<128x128xf32>, vector<2000x128xf32> -> vector<2000x128xf32>
    %add3A = arith.constant 9.99999993E-9 : f32
    %add3A_80 = vector.broadcast %add3A : f32 to vector<2000x128xf32>
    %add3A_81 = arith.addf %dot_general3A_79, %add3A_80 : vector<2000x128xf32>
    %div3A_82 = arith.divf %dot_general3A_70, %add3A_81 : vector<2000x128xf32>
    %get3A_83 = arith.constant 0 : index
    %get3A_84 = arith.constant 0 : index
    %get3A_85 = arith.constant 0 : index
    %get3A_86 = vector.load %arg8[%get3A_83, %get3A_84, %get3A_85] : memref<1x128x128xf32, #tpu.memory_space<vmem>>, vector<1x128x128xf32>
    %get3A_87 = vector.shape_cast %get3A_86 : vector<1x128x128xf32> to vector<128x128xf32>
    %dot_general3A_88 = arith.constant dense<0.000000e+00> : vector<2000x128xf32>
    %dot_general3A_89 = tpu.matmul %div3A_82, %get3A_87, %dot_general3A_88 {dimension_numbers = #tpu.dot_dimension_numbers<[1], [0], [0], [1], [0, 0, 1, 1], [], []>, transpose_lhs_hint = false} : vector<2000x128xf32>, vector<128x128xf32>, vector<2000x128xf32> -> vector<2000x128xf32>
    %add3A_90 = arith.addf %dot_general3A_89, %get3A_3 : vector<2000x128xf32>
    %get3A_91 = arith.constant 0 : index
    %get3A_92 = arith.constant 0 : index
    %get3A_93 = arith.constant 0 : index
    %get3A_94 = vector.load %arg9[%get3A_91, %get3A_92, %get3A_93] : memref<1x1x128xf32, #tpu.memory_space<vmem>>, vector<1x1x128xf32>
    %get3A_95 = vector.shape_cast %get3A_94 : vector<1x1x128xf32> to vector<1x128xf32>
    %get3A_96 = arith.constant 0 : index
    %get3A_97 = arith.constant 0 : index
    %get3A_98 = arith.constant 0 : index
    %get3A_99 = vector.load %arg10[%get3A_96, %get3A_97, %get3A_98] : memref<1x1x128xf32, #tpu.memory_space<vmem>>, vector<1x1x128xf32>
    %get3A_100 = vector.shape_cast %get3A_99 : vector<1x1x128xf32> to vector<1x128xf32>
    %reduce_sum3A = arith.constant dense<0.000000e+00> : vector<2000xf32>
    %reduce_sum3A_101 = vector.multi_reduction <add>, %add3A_90, %reduce_sum3A [1] : vector<2000x128xf32> to vector<2000xf32>
    %broadcast_in_dim3A = vector.shape_cast %reduce_sum3A_101 : vector<2000xf32> to vector<2000x1xf32>
    %div3A_102 = arith.constant 1.280000e+02 : f32
    %div3A_103 = vector.broadcast %div3A_102 : f32 to vector<2000x1xf32>
    %div3A_104 = arith.divf %broadcast_in_dim3A, %div3A_103 : vector<2000x1xf32>
    %sub3A_105 = vector.broadcast %div3A_104 : vector<2000x1xf32> to vector<2000x128xf32>
    %sub3A_106 = arith.subf %add3A_90, %sub3A_105 : vector<2000x128xf32>
    %integer_pow3A = arith.mulf %sub3A_106, %sub3A_106 : vector<2000x128xf32>
    %reduce_sum3A_107 = arith.constant dense<0.000000e+00> : vector<2000xf32>
    %reduce_sum3A_108 = vector.multi_reduction <add>, %integer_pow3A, %reduce_sum3A_107 [1] : vector<2000x128xf32> to vector<2000xf32>
    %broadcast_in_dim3A_109 = vector.shape_cast %reduce_sum3A_108 : vector<2000xf32> to vector<2000x1xf32>
    %div3A_110 = arith.constant 1.280000e+02 : f32
    %div3A_111 = vector.broadcast %div3A_110 : f32 to vector<2000x1xf32>
    %div3A_112 = arith.divf %broadcast_in_dim3A_109, %div3A_111 : vector<2000x1xf32>
    %sub3A_113 = vector.broadcast %div3A_104 : vector<2000x1xf32> to vector<2000x128xf32>
    %sub3A_114 = arith.subf %add3A_90, %sub3A_113 : vector<2000x128xf32>
    %add3A_115 = arith.constant 9.99999974E-6 : f32
    %add3A_116 = vector.broadcast %add3A_115 : f32 to vector<2000x1xf32>
    %add3A_117 = arith.addf %div3A_112, %add3A_116 : vector<2000x1xf32>
    %sqrt3A = math.sqrt %add3A_117 : vector<2000x1xf32>
    %div3A_118 = vector.broadcast %sqrt3A : vector<2000x1xf32> to vector<2000x128xf32>
    %div3A_119 = arith.divf %sub3A_114, %div3A_118 : vector<2000x128xf32>
    %mul3A_120 = vector.broadcast %get3A_95 : vector<1x128xf32> to vector<2000x128xf32>
    %mul3A_121 = arith.mulf %div3A_119, %mul3A_120 : vector<2000x128xf32>
    %add3A_122 = vector.broadcast %get3A_100 : vector<1x128xf32> to vector<2000x128xf32>
    %add3A_123 = arith.addf %mul3A_121, %add3A_122 : vector<2000x128xf32>
    %get3A_124 = arith.constant 0 : index
    %get3A_125 = arith.constant 0 : index
    %get3A_126 = arith.constant 0 : index
    %get3A_127 = vector.load %arg6[%get3A_124, %get3A_125, %get3A_126] : memref<1x2000x128xf32, #tpu.memory_space<vmem>>, vector<1x2000x128xf32>
    %get3A_128 = vector.shape_cast %get3A_127 : vector<1x2000x128xf32> to vector<2000x128xf32>
    %get3A_129 = arith.constant 0 : index
    %get3A_130 = arith.constant 0 : index
    %get3A_131 = arith.constant 0 : index
    %get3A_132 = vector.load %arg7[%get3A_129, %get3A_130, %get3A_131] : memref<1x2000x8xf32, #tpu.memory_space<vmem>>, vector<1x2000x8xf32>
    %get3A_133 = vector.shape_cast %get3A_132 : vector<1x2000x8xf32> to vector<2000x8xf32>
    %iota3A_134 = tpu.iota {dimensions = array<i32: 0>} : vector<8x128xi32>
    %iota3A_135 = tpu.iota {dimensions = array<i32: 1>} : vector<8x128xi32>
    %jit3A_136 = arith.constant 16 : i32
    %div3A_137 = vector.broadcast %jit3A_136 : i32 to vector<8x128xi32>
    %div3A_138 = arith.divsi %iota3A_135, %div3A_137 : vector<8x128xi32>
    %sign3A_139 = arith.constant 0 : i32
    %sign3A_140 = vector.broadcast %sign3A_139 : i32 to vector<8x128xi32>
    %sign3A_141 = arith.cmpi sgt, %iota3A_135, %sign3A_140 : vector<8x128xi32>
    %sign3A_142 = arith.extui %sign3A_141 : vector<8x128xi1> to vector<8x128xi32>
    %sign3A_143 = arith.constant 0 : i32
    %sign3A_144 = vector.broadcast %sign3A_143 : i32 to vector<8x128xi32>
    %sign3A_145 = arith.cmpi slt, %iota3A_135, %sign3A_144 : vector<8x128xi32>
    %sign3A_146 = arith.extui %sign3A_145 : vector<8x128xi1> to vector<8x128xi32>
    %sign3A_147 = arith.subi %sign3A_142, %sign3A_146 : vector<8x128xi32>
    %sign3A_148 = arith.constant 0 : i32
    %sign3A_149 = arith.cmpi sgt, %jit3A_136, %sign3A_148 : i32
    %sign3A_150 = arith.extui %sign3A_149 : i1 to i32
    %sign3A_151 = arith.constant 0 : i32
    %sign3A_152 = arith.cmpi slt, %jit3A_136, %sign3A_151 : i32
    %sign3A_153 = arith.extui %sign3A_152 : i1 to i32
    %sign3A_154 = arith.subi %sign3A_150, %sign3A_153 : i32
    %ne3A_155 = vector.broadcast %sign3A_154 : i32 to vector<8x128xi32>
    %ne3A_156 = arith.cmpi ne, %sign3A_147, %ne3A_155 : vector<8x128xi32>
    %rem3A_157 = vector.broadcast %jit3A_136 : i32 to vector<8x128xi32>
    %rem3A_158 = arith.remsi %iota3A_135, %rem3A_157 : vector<8x128xi32>
    %ne3A_159 = arith.constant 0 : i32
    %ne3A_160 = vector.broadcast %ne3A_159 : i32 to vector<8x128xi32>
    %ne3A_161 = arith.cmpi ne, %rem3A_158, %ne3A_160 : vector<8x128xi32>
    %and3A_162 = arith.andi %ne3A_156, %ne3A_161 : vector<8x128xi1>
    %sub3A_163 = arith.constant 1 : i32
    %sub3A_164 = vector.broadcast %sub3A_163 : i32 to vector<8x128xi32>
    %sub3A_165 = arith.subi %div3A_138, %sub3A_164 : vector<8x128xi32>
    %select_n3A_166 = arith.select %and3A_162, %sub3A_165, %div3A_138 : vector<8x128xi1>, vector<8x128xi32>
    %eq3A_167 = arith.cmpi eq, %iota3A_134, %select_n3A_166 : vector<8x128xi32>
    %convert_element_type3A_168 = arith.extui %eq3A_167 : vector<8x128xi1> to vector<8x128xi32>
    %convert_element_type3A_169 = arith.sitofp %convert_element_type3A_168 : vector<8x128xi32> to vector<8x128xf32>
    %dot_general3A_170 = arith.constant dense<0.000000e+00> : vector<2000x128xf32>
    %dot_general3A_171 = tpu.matmul %get3A_133, %convert_element_type3A_169, %dot_general3A_170 {dimension_numbers = #tpu.dot_dimension_numbers<[1], [0], [0], [1], [0, 0, 1, 1], [], []>, transpose_lhs_hint = false} : vector<2000x8xf32>, vector<8x128xf32>, vector<2000x128xf32> -> vector<2000x128xf32>
    %add3A_172 = arith.constant 9.99999993E-9 : f32
    %add3A_173 = vector.broadcast %add3A_172 : f32 to vector<2000x128xf32>
    %add3A_174 = arith.addf %dot_general3A_171, %add3A_173 : vector<2000x128xf32>
    %div3A_175 = arith.divf %get3A_128, %add3A_174 : vector<2000x128xf32>
    %get3A_176 = arith.constant 0 : index
    %get3A_177 = arith.constant 0 : index
    %get3A_178 = arith.constant 0 : index
    %get3A_179 = vector.load %arg11[%get3A_176, %get3A_177, %get3A_178] : memref<1x128x128xf32, #tpu.memory_space<vmem>>, vector<1x128x128xf32>
    %get3A_180 = vector.shape_cast %get3A_179 : vector<1x128x128xf32> to vector<128x128xf32>
    %dot_general3A_181 = arith.constant dense<0.000000e+00> : vector<2000x128xf32>
    %dot_general3A_182 = tpu.matmul %div3A_175, %get3A_180, %dot_general3A_181 {dimension_numbers = #tpu.dot_dimension_numbers<[1], [0], [0], [1], [0, 0, 1, 1], [], []>, transpose_lhs_hint = false} : vector<2000x128xf32>, vector<128x128xf32>, vector<2000x128xf32> -> vector<2000x128xf32>
    %add3A_183 = arith.addf %dot_general3A_182, %get3A_3 : vector<2000x128xf32>
    %get3A_184 = arith.constant 0 : index
    %get3A_185 = arith.constant 0 : index
    %get3A_186 = arith.constant 0 : index
    %get3A_187 = vector.load %arg12[%get3A_184, %get3A_185, %get3A_186] : memref<1x1x128xf32, #tpu.memory_space<vmem>>, vector<1x1x128xf32>
    %get3A_188 = vector.shape_cast %get3A_187 : vector<1x1x128xf32> to vector<1x128xf32>
    %get3A_189 = arith.constant 0 : index
    %get3A_190 = arith.constant 0 : index
    %get3A_191 = arith.constant 0 : index
    %get3A_192 = vector.load %arg13[%get3A_189, %get3A_190, %get3A_191] : memref<1x1x128xf32, #tpu.memory_space<vmem>>, vector<1x1x128xf32>
    %get3A_193 = vector.shape_cast %get3A_192 : vector<1x1x128xf32> to vector<1x128xf32>
    %reduce_sum3A_194 = arith.constant dense<0.000000e+00> : vector<2000xf32>
    %reduce_sum3A_195 = vector.multi_reduction <add>, %add3A_183, %reduce_sum3A_194 [1] : vector<2000x128xf32> to vector<2000xf32>
    %broadcast_in_dim3A_196 = vector.shape_cast %reduce_sum3A_195 : vector<2000xf32> to vector<2000x1xf32>
    %div3A_197 = arith.constant 1.280000e+02 : f32
    %div3A_198 = vector.broadcast %div3A_197 : f32 to vector<2000x1xf32>
    %div3A_199 = arith.divf %broadcast_in_dim3A_196, %div3A_198 : vector<2000x1xf32>
    %sub3A_200 = vector.broadcast %div3A_199 : vector<2000x1xf32> to vector<2000x128xf32>
    %sub3A_201 = arith.subf %add3A_183, %sub3A_200 : vector<2000x128xf32>
    %integer_pow3A_202 = arith.mulf %sub3A_201, %sub3A_201 : vector<2000x128xf32>
    %reduce_sum3A_203 = arith.constant dense<0.000000e+00> : vector<2000xf32>
    %reduce_sum3A_204 = vector.multi_reduction <add>, %integer_pow3A_202, %reduce_sum3A_203 [1] : vector<2000x128xf32> to vector<2000xf32>
    %broadcast_in_dim3A_205 = vector.shape_cast %reduce_sum3A_204 : vector<2000xf32> to vector<2000x1xf32>
    %div3A_206 = arith.constant 1.280000e+02 : f32
    %div3A_207 = vector.broadcast %div3A_206 : f32 to vector<2000x1xf32>
    %div3A_208 = arith.divf %broadcast_in_dim3A_205, %div3A_207 : vector<2000x1xf32>
    %sub3A_209 = vector.broadcast %div3A_199 : vector<2000x1xf32> to vector<2000x128xf32>
    %sub3A_210 = arith.subf %add3A_183, %sub3A_209 : vector<2000x128xf32>
    %add3A_211 = arith.constant 9.99999974E-6 : f32
    %add3A_212 = vector.broadcast %add3A_211 : f32 to vector<2000x1xf32>
    %add3A_213 = arith.addf %div3A_208, %add3A_212 : vector<2000x1xf32>
    %sqrt3A_214 = math.sqrt %add3A_213 : vector<2000x1xf32>
    %div3A_215 = vector.broadcast %sqrt3A_214 : vector<2000x1xf32> to vector<2000x128xf32>
    %div3A_216 = arith.divf %sub3A_210, %div3A_215 : vector<2000x128xf32>
    %mul3A_217 = vector.broadcast %get3A_188 : vector<1x128xf32> to vector<2000x128xf32>
    %mul3A_218 = arith.mulf %div3A_216, %mul3A_217 : vector<2000x128xf32>
    %add3A_219 = vector.broadcast %get3A_193 : vector<1x128xf32> to vector<2000x128xf32>
    %add3A_220 = arith.addf %mul3A_218, %add3A_219 : vector<2000x128xf32>
    %get3A_221 = arith.constant 0 : index
    %get3A_222 = arith.constant 0 : index
    %get3A_223 = arith.constant 0 : index
    %get3A_224 = vector.load %arg14[%get3A_221, %get3A_222, %get3A_223] : memref<1x128x128xf32, #tpu.memory_space<vmem>>, vector<1x128x128xf32>
    %get3A_225 = vector.shape_cast %get3A_224 : vector<1x128x128xf32> to vector<128x128xf32>
    %dot_general3A_226 = arith.constant dense<0.000000e+00> : vector<2000x128xf32>
    %dot_general3A_227 = tpu.matmul %add3A_123, %get3A_225, %dot_general3A_226 {dimension_numbers = #tpu.dot_dimension_numbers<[1], [0], [0], [1], [0, 0, 1, 1], [], []>, transpose_lhs_hint = false} : vector<2000x128xf32>, vector<128x128xf32>, vector<2000x128xf32> -> vector<2000x128xf32>
    %get3A_228 = arith.constant 0 : index
    %get3A_229 = arith.constant 0 : index
    %get3A_230 = arith.constant 0 : index
    %get3A_231 = vector.load %arg15[%get3A_228, %get3A_229, %get3A_230] : memref<1x128x128xf32, #tpu.memory_space<vmem>>, vector<1x128x128xf32>
    %get3A_232 = vector.shape_cast %get3A_231 : vector<1x128x128xf32> to vector<128x128xf32>
    %dot_general3A_233 = arith.constant dense<0.000000e+00> : vector<2000x128xf32>
    %dot_general3A_234 = tpu.matmul %add3A_220, %get3A_232, %dot_general3A_233 {dimension_numbers = #tpu.dot_dimension_numbers<[1], [0], [0], [1], [0, 0, 1, 1], [], []>, transpose_lhs_hint = false} : vector<2000x128xf32>, vector<128x128xf32>, vector<2000x128xf32> -> vector<2000x128xf32>
    %add3A_235 = arith.addf %dot_general3A_227, %dot_general3A_234 : vector<2000x128xf32>
    %get3A_236 = arith.constant 0 : index
    %get3A_237 = arith.constant 0 : index
    %get3A_238 = arith.constant 0 : index
    %get3A_239 = vector.load %arg16[%get3A_236, %get3A_237, %get3A_238] : memref<1x1x128xf32, #tpu.memory_space<vmem>>, vector<1x1x128xf32>
    %get3A_240 = vector.shape_cast %get3A_239 : vector<1x1x128xf32> to vector<1x128xf32>
    %add3A_241 = vector.broadcast %get3A_240 : vector<1x128xf32> to vector<2000x128xf32>
    %add3A_242 = arith.addf %add3A_235, %add3A_241 : vector<2000x128xf32>
    %max3A = arith.constant 0.000000e+00 : f32
    %max3A_243 = vector.broadcast %max3A : f32 to vector<2000x128xf32>
    %max3A_244 = arith.maximumf %add3A_242, %max3A_243 : vector<2000x128xf32>
    %get3A_245 = arith.constant 0 : index
    %get3A_246 = arith.constant 0 : index
    %get3A_247 = arith.constant 0 : index
    %get3A_248 = vector.load %arg17[%get3A_245, %get3A_246, %get3A_247] : memref<1x1x128xf32, #tpu.memory_space<vmem>>, vector<1x1x128xf32>
    %get3A_249 = vector.shape_cast %get3A_248 : vector<1x1x128xf32> to vector<1x128xf32>
    %get3A_250 = arith.constant 0 : index
    %get3A_251 = arith.constant 0 : index
    %get3A_252 = arith.constant 0 : index
    %get3A_253 = vector.load %arg18[%get3A_250, %get3A_251, %get3A_252] : memref<1x1x128xf32, #tpu.memory_space<vmem>>, vector<1x1x128xf32>
    %get3A_254 = vector.shape_cast %get3A_253 : vector<1x1x128xf32> to vector<1x128xf32>
    %reduce_sum3A_255 = arith.constant dense<0.000000e+00> : vector<2000xf32>
    %reduce_sum3A_256 = vector.multi_reduction <add>, %max3A_244, %reduce_sum3A_255 [1] : vector<2000x128xf32> to vector<2000xf32>
    %broadcast_in_dim3A_257 = vector.shape_cast %reduce_sum3A_256 : vector<2000xf32> to vector<2000x1xf32>
    %div3A_258 = arith.constant 1.280000e+02 : f32
    %div3A_259 = vector.broadcast %div3A_258 : f32 to vector<2000x1xf32>
    %div3A_260 = arith.divf %broadcast_in_dim3A_257, %div3A_259 : vector<2000x1xf32>
    %sub3A_261 = vector.broadcast %div3A_260 : vector<2000x1xf32> to vector<2000x128xf32>
    %sub3A_262 = arith.subf %max3A_244, %sub3A_261 : vector<2000x128xf32>
    %integer_pow3A_263 = arith.mulf %sub3A_262, %sub3A_262 : vector<2000x128xf32>
    %reduce_sum3A_264 = arith.constant dense<0.000000e+00> : vector<2000xf32>
    %reduce_sum3A_265 = vector.multi_reduction <add>, %integer_pow3A_263, %reduce_sum3A_264 [1] : vector<2000x128xf32> to vector<2000xf32>
    %broadcast_in_dim3A_266 = vector.shape_cast %reduce_sum3A_265 : vector<2000xf32> to vector<2000x1xf32>
    %div3A_267 = arith.constant 1.280000e+02 : f32
    %div3A_268 = vector.broadcast %div3A_267 : f32 to vector<2000x1xf32>
    %div3A_269 = arith.divf %broadcast_in_dim3A_266, %div3A_268 : vector<2000x1xf32>
    %sub3A_270 = vector.broadcast %div3A_260 : vector<2000x1xf32> to vector<2000x128xf32>
    %sub3A_271 = arith.subf %max3A_244, %sub3A_270 : vector<2000x128xf32>
    %add3A_272 = arith.constant 9.99999974E-6 : f32
    %add3A_273 = vector.broadcast %add3A_272 : f32 to vector<2000x1xf32>
    %add3A_274 = arith.addf %div3A_269, %add3A_273 : vector<2000x1xf32>
    %sqrt3A_275 = math.sqrt %add3A_274 : vector<2000x1xf32>
    %div3A_276 = vector.broadcast %sqrt3A_275 : vector<2000x1xf32> to vector<2000x128xf32>
    %div3A_277 = arith.divf %sub3A_271, %div3A_276 : vector<2000x128xf32>
    %mul3A_278 = vector.broadcast %get3A_249 : vector<1x128xf32> to vector<2000x128xf32>
    %mul3A_279 = arith.mulf %div3A_277, %mul3A_278 : vector<2000x128xf32>
    %add3A_280 = vector.broadcast %get3A_254 : vector<1x128xf32> to vector<2000x128xf32>
    %add3A_281 = arith.addf %mul3A_279, %add3A_280 : vector<2000x128xf32>
    %get3A_282 = arith.constant 0 : index
    %get3A_283 = arith.constant 0 : index
    %get3A_284 = arith.constant 0 : index
    %get3A_285 = vector.load %arg19[%get3A_282, %get3A_283, %get3A_284] : memref<1x128x512xf32, #tpu.memory_space<vmem>>, vector<1x128x512xf32>
    %get3A_286 = vector.shape_cast %get3A_285 : vector<1x128x512xf32> to vector<128x512xf32>
    %dot_general3A_287 = arith.constant dense<0.000000e+00> : vector<2000x512xf32>
    %dot_general3A_288 = tpu.matmul %add3A_281, %get3A_286, %dot_general3A_287 {dimension_numbers = #tpu.dot_dimension_numbers<[1], [0], [0], [1], [0, 0, 1, 1], [], []>, transpose_lhs_hint = false} : vector<2000x128xf32>, vector<128x512xf32>, vector<2000x512xf32> -> vector<2000x512xf32>
    %max3A_289 = arith.constant 0.000000e+00 : f32
    %max3A_290 = vector.broadcast %max3A_289 : f32 to vector<2000x512xf32>
    %max3A_291 = arith.maximumf %dot_general3A_288, %max3A_290 : vector<2000x512xf32>
    %get3A_292 = arith.constant 0 : index
    %get3A_293 = arith.constant 0 : index
    %get3A_294 = arith.constant 0 : index
    %get3A_295 = vector.load %arg20[%get3A_292, %get3A_293, %get3A_294] : memref<1x512x128xf32, #tpu.memory_space<vmem>>, vector<1x512x128xf32>
    %get3A_296 = vector.shape_cast %get3A_295 : vector<1x512x128xf32> to vector<512x128xf32>
    %dot_general3A_297 = arith.constant dense<0.000000e+00> : vector<2000x128xf32>
    %dot_general3A_298 = tpu.matmul %max3A_291, %get3A_296, %dot_general3A_297 {dimension_numbers = #tpu.dot_dimension_numbers<[1], [0], [0], [1], [0, 0, 1, 1], [], []>, transpose_lhs_hint = false} : vector<2000x512xf32>, vector<512x128xf32>, vector<2000x128xf32> -> vector<2000x128xf32>
    %add3A_299 = arith.addf %dot_general3A_298, %add3A_281 : vector<2000x128xf32>
    %get3A_300 = arith.constant 0 : index
    %get3A_301 = arith.constant 0 : index
    %get3A_302 = arith.constant 0 : index
    %get3A_303 = vector.load %arg21[%get3A_300, %get3A_301, %get3A_302] : memref<1x1x128xf32, #tpu.memory_space<vmem>>, vector<1x1x128xf32>
    %get3A_304 = vector.shape_cast %get3A_303 : vector<1x1x128xf32> to vector<1x128xf32>
    %get3A_305 = arith.constant 0 : index
    %get3A_306 = arith.constant 0 : index
    %get3A_307 = arith.constant 0 : index
    %get3A_308 = vector.load %arg22[%get3A_305, %get3A_306, %get3A_307] : memref<1x1x128xf32, #tpu.memory_space<vmem>>, vector<1x1x128xf32>
    %get3A_309 = vector.shape_cast %get3A_308 : vector<1x1x128xf32> to vector<1x128xf32>
    %reduce_sum3A_310 = arith.constant dense<0.000000e+00> : vector<2000xf32>
    %reduce_sum3A_311 = vector.multi_reduction <add>, %add3A_299, %reduce_sum3A_310 [1] : vector<2000x128xf32> to vector<2000xf32>
    %broadcast_in_dim3A_312 = vector.shape_cast %reduce_sum3A_311 : vector<2000xf32> to vector<2000x1xf32>
    %div3A_313 = arith.constant 1.280000e+02 : f32
    %div3A_314 = vector.broadcast %div3A_313 : f32 to vector<2000x1xf32>
    %div3A_315 = arith.divf %broadcast_in_dim3A_312, %div3A_314 : vector<2000x1xf32>
    %sub3A_316 = vector.broadcast %div3A_315 : vector<2000x1xf32> to vector<2000x128xf32>
    %sub3A_317 = arith.subf %add3A_299, %sub3A_316 : vector<2000x128xf32>
    %integer_pow3A_318 = arith.mulf %sub3A_317, %sub3A_317 : vector<2000x128xf32>
    %reduce_sum3A_319 = arith.constant dense<0.000000e+00> : vector<2000xf32>
    %reduce_sum3A_320 = vector.multi_reduction <add>, %integer_pow3A_318, %reduce_sum3A_319 [1] : vector<2000x128xf32> to vector<2000xf32>
    %broadcast_in_dim3A_321 = vector.shape_cast %reduce_sum3A_320 : vector<2000xf32> to vector<2000x1xf32>
    %div3A_322 = arith.constant 1.280000e+02 : f32
    %div3A_323 = vector.broadcast %div3A_322 : f32 to vector<2000x1xf32>
    %div3A_324 = arith.divf %broadcast_in_dim3A_321, %div3A_323 : vector<2000x1xf32>
    %sub3A_325 = vector.broadcast %div3A_315 : vector<2000x1xf32> to vector<2000x128xf32>
    %sub3A_326 = arith.subf %add3A_299, %sub3A_325 : vector<2000x128xf32>
    %add3A_327 = arith.constant 9.99999974E-6 : f32
    %add3A_328 = vector.broadcast %add3A_327 : f32 to vector<2000x1xf32>
    %add3A_329 = arith.addf %div3A_324, %add3A_328 : vector<2000x1xf32>
    %sqrt3A_330 = math.sqrt %add3A_329 : vector<2000x1xf32>
    %div3A_331 = vector.broadcast %sqrt3A_330 : vector<2000x1xf32> to vector<2000x128xf32>
    %div3A_332 = arith.divf %sub3A_326, %div3A_331 : vector<2000x128xf32>
    %mul3A_333 = vector.broadcast %get3A_304 : vector<1x128xf32> to vector<2000x128xf32>
    %mul3A_334 = arith.mulf %div3A_332, %mul3A_333 : vector<2000x128xf32>
    %add3A_335 = vector.broadcast %get3A_309 : vector<1x128xf32> to vector<2000x128xf32>
    %add3A_336 = arith.addf %mul3A_334, %add3A_335 : vector<2000x128xf32>
    %swap3A = arith.constant 0 : index
    %swap3A_337 = arith.constant 0 : index
    %swap3A_338 = arith.constant 0 : index
    %swap3A_339 = vector.load %arg23[%swap3A, %swap3A_337, %swap3A_338] : memref<1x2000x128xf32, #tpu.memory_space<vmem>>, vector<1x2000x128xf32>
    %swap3A_340 = vector.shape_cast %swap3A_339 : vector<1x2000x128xf32> to vector<2000x128xf32>
    %swap3A_341 = vector.shape_cast %add3A_336 : vector<2000x128xf32> to vector<1x2000x128xf32>
    tpu.vector_store %arg23[%swap3A, %swap3A_337, %swap3A_338], %swap3A_341 {strides = array<i32>} : memref<1x2000x128xf32, #tpu.memory_space<vmem>>, vector<1x2000x128xf32>,
    return
  }
  func.func @transform_0(%arg0: i32, %arg1: i32) -> (i32, i32, i32) {
    %c0_i32 = arith.constant 0 : i32
    %c0_i32_0 = arith.constant 0 : i32
    return %arg0, %arg1, %c0_i32 : i32, i32, i32
  }
  func.func @transform_1(%arg0: i32, %arg1: i32) -> (i32, i32, i32) {
    %c0_i32 = arith.constant 0 : i32
    %c0_i32_0 = arith.constant 0 : i32
    return %arg0, %arg1, %c0_i32 : i32, i32, i32
  }
  func.func @transform_2(%arg0: i32, %arg1: i32) -> (i32, i32, i32) {
    %c0_i32 = arith.constant 0 : i32
    %c0_i32_0 = arith.constant 0 : i32
    %c0_i32_1 = arith.constant 0 : i32
    return %arg0, %c0_i32, %c0_i32_0 : i32, i32, i32
  }
  func.func @transform_3(%arg0: i32, %arg1: i32) -> (i32, i32, i32) {
    %c0_i32 = arith.constant 0 : i32
    %c0_i32_0 = arith.constant 0 : i32
    %c0_i32_1 = arith.constant 0 : i32
    return %arg0, %c0_i32, %c0_i32_0 : i32, i32, i32
  }
  func.func @transform_4(%arg0: i32, %arg1: i32) -> (i32, i32, i32) {
    %c0_i32 = arith.constant 0 : i32
    %c0_i32_0 = arith.constant 0 : i32
    return %arg0, %arg1, %c0_i32 : i32, i32, i32
  }
  func.func @transform_5(%arg0: i32, %arg1: i32) -> (i32, i32, i32) {
    %c0_i32 = arith.constant 0 : i32
    %c0_i32_0 = arith.constant 0 : i32
    return %arg0, %arg1, %c0_i32 : i32, i32, i32
  }
  func.func @transform_6(%arg0: i32, %arg1: i32) -> (i32, i32, i32) {
    %c0_i32 = arith.constant 0 : i32
    %c0_i32_0 = arith.constant 0 : i32
    %c0_i32_1 = arith.constant 0 : i32
    return %arg0, %c0_i32, %c0_i32_0 : i32, i32, i32
  }
  func.func @transform_7(%arg0: i32, %arg1: i32) -> (i32, i32, i32) {
    %c0_i32 = arith.constant 0 : i32
    %c0_i32_0 = arith.constant 0 : i32
    %c0_i32_1 = arith.constant 0 : i32
    return %arg0, %c0_i32, %c0_i32_0 : i32, i32, i32
  }
  func.func @transform_8(%arg0: i32, %arg1: i32) -> (i32, i32, i32) {
    %c0_i32 = arith.constant 0 : i32
    %c0_i32_0 = arith.constant 0 : i32
    %c0_i32_1 = arith.constant 0 : i32
    return %arg0, %c0_i32, %c0_i32_0 : i32, i32, i32
  }
  func.func @transform_9(%arg0: i32, %arg1: i32) -> (i32, i32, i32) {
    %c0_i32 = arith.constant 0 : i32
    %c0_i32_0 = arith.constant 0 : i32
    %c0_i32_1 = arith.constant 0 : i32
    return %arg0, %c0_i32, %c0_i32_0 : i32, i32, i32
  }
  func.func @transform_10(%arg0: i32, %arg1: i32) -> (i32, i32, i32) {
    %c0_i32 = arith.constant 0 : i32
    %c0_i32_0 = arith.constant 0 : i32
    %c0_i32_1 = arith.constant 0 : i32
    return %arg0, %c0_i32, %c0_i32_0 : i32, i32, i32
  }
  func.func @transform_11(%arg0: i32, %arg1: i32) -> (i32, i32, i32) {
    %c0_i32 = arith.constant 0 : i32
    %c0_i32_0 = arith.constant 0 : i32
    %c0_i32_1 = arith.constant 0 : i32
    return %arg0, %c0_i32, %c0_i32_0 : i32, i32, i32
  }
  func.func @transform_12(%arg0: i32, %arg1: i32) -> (i32, i32, i32) {
    %c0_i32 = arith.constant 0 : i32
    %c0_i32_0 = arith.constant 0 : i32
    %c0_i32_1 = arith.constant 0 : i32
    return %arg0, %c0_i32, %c0_i32_0 : i32, i32, i32
  }
  func.func @transform_13(%arg0: i32, %arg1: i32) -> (i32, i32, i32) {
    %c0_i32 = arith.constant 0 : i32
    %c0_i32_0 = arith.constant 0 : i32
    %c0_i32_1 = arith.constant 0 : i32
    return %arg0, %c0_i32, %c0_i32_0 : i32, i32, i32
  }
  func.func @transform_14(%arg0: i32, %arg1: i32) -> (i32, i32, i32) {
    %c0_i32 = arith.constant 0 : i32
    %c0_i32_0 = arith.constant 0 : i32
    %c0_i32_1 = arith.constant 0 : i32
    return %arg0, %c0_i32, %c0_i32_0 : i32, i32, i32
  }
  func.func @transform_15(%arg0: i32, %arg1: i32) -> (i32, i32, i32) {
    %c0_i32 = arith.constant 0 : i32
    %c0_i32_0 = arith.constant 0 : i32
    %c0_i32_1 = arith.constant 0 : i32
    return %arg0, %c0_i32, %c0_i32_0 : i32, i32, i32
  }
  func.func @transform_16(%arg0: i32, %arg1: i32) -> (i32, i32, i32) {
    %c0_i32 = arith.constant 0 : i32
    %c0_i32_0 = arith.constant 0 : i32
    %c0_i32_1 = arith.constant 0 : i32
    return %arg0, %c0_i32, %c0_i32_0 : i32, i32, i32
  }
  func.func @transform_17(%arg0: i32, %arg1: i32) -> (i32, i32, i32) {
    %c0_i32 = arith.constant 0 : i32
    %c0_i32_0 = arith.constant 0 : i32
    %c0_i32_1 = arith.constant 0 : i32
    return %arg0, %c0_i32, %c0_i32_0 : i32, i32, i32
  }
  func.func @transform_18(%arg0: i32, %arg1: i32) -> (i32, i32, i32) {
    %c0_i32 = arith.constant 0 : i32
    %c0_i32_0 = arith.constant 0 : i32
    %c0_i32_1 = arith.constant 0 : i32
    return %arg0, %c0_i32, %c0_i32_0 : i32, i32, i32
  }
  func.func @transform_19(%arg0: i32, %arg1: i32) -> (i32, i32, i32) {
    %c0_i32 = arith.constant 0 : i32
    %c0_i32_0 = arith.constant 0 : i32
    %c0_i32_1 = arith.constant 0 : i32
    return %arg0, %c0_i32, %c0_i32_0 : i32, i32, i32
  }
  func.func @transform_20(%arg0: i32, %arg1: i32) -> (i32, i32, i32) {
    %c0_i32 = arith.constant 0 : i32
    %c0_i32_0 = arith.constant 0 : i32
    %c0_i32_1 = arith.constant 0 : i32
    return %arg0, %c0_i32, %c0_i32_0 : i32, i32, i32
  }
  func.func @transform_21(%arg0: i32, %arg1: i32) -> (i32, i32, i32) {
    %c0_i32 = arith.constant 0 : i32
    %c0_i32_0 = arith.constant 0 : i32
    return %arg0, %arg1, %c0_i32 : i32, i32, i32
  }
}

</mosaic_0001>

<sc_bundles>
// kernel: kernel.6.cloned.1.call-start
scs
__scs_entry_jumppad:
0x0: {  	(pc) =	sbr.rel $0x88, $3  }
0x1: {  	(tag) =	ssettag $0x0;
	lr =	simm.s32 $0x1  }
0x2: {  	[smem:$0x3F73] =	sst lr;
	_ =	strace $0xD0000000  }
0x3: {  	_ = 	snop  }
0x4: {  	_ = 	snop  }
0x5: {  	_ = 	snop  }
0x6: {  	_ = 	snop  }
0x7: {  	_ = 	snop  }
__scs_overlays_trampoline_lowered:
0x8: {  	[smem:$0x3F82] =	sst s0  }
0x9: {  	[smem:$0x3F83] =	sst s1  }
0xa: {  	[smem:$0x3F84] =	sst s2  }
0xb: {  	[smem:$0x3F85] =	sst s3  }
0xc: {  	[smem:$0x3F86] =	sst s4  }
0xd: {  	[smem:$0x3F87] =	sst s5  }
0xe: {  	[smem:$0x3F88] =	sst s6  }
0xf: {  	[smem:$0x3F89] =	sst s7  }
0x10: {  	[smem:$0x3F8A] =	sst s8  }
0x11: {  	[smem:$0x3F8B] =	sst s9;
	s0 =	simm.s32 @!p0 $0x0  }
0x12: {  	s1 =	sld [smem:$0x3F71];
	s0 =	simm.s32 @p0 $0x1  }
0x13: {  	[smem:$0x3F8C] =	sst s0;
	s0 =	simm.s32 @!p1 $0x0  }
0x14: {  	s2 =	sld [smem:$0x3F70];
	s0 =	simm.s32 @p1 $0x1  }
0x15: {  	[smem:$0x3F8D] =	sst s0;
	s0 =	simm.s32 @!p2 $0x0  }
0x16: {  	s3 =	sld [smem:$0x3FDB];
	s0 =	simm.s32 @p2 $0x1  }
0x17: {  	s4 =	simm.s32 $0x1BF5;
	[smem:$0x3F8F] =	sst s0  }
0x18: {  	s0 =	sld [smem:$0x3F72];
	_ =	swait.ge [sflag:s4], $0x0  }
0x19: {  	s7 =	sld [smem:$0x3F73]  }
0x1a: {  	s8 =	sadd.s32 $0xFFFFE003, lr  }
0x1b: {  	s9 =	sadd.s32 $0xFFFFFEF7, lr;
	s5 =	simm.s32 $0xFFFFFFFF;
	p2 =	slt.u32 s8, $0xFFFFF086  }
0x1c: {  	p1 =	slt.u32 s9, $0xF7A;
	s5 =	simm.s32 @!p2 $0x0  }
0x1d: {  	s5 =	simm.s32 @p1 $0x1;
	p0 =	seq.s32 s7, s2  }
0x1e: {  	s7 =	smul.u32 @!p0 $0xF7A, s2;
	p2 =	seq.s32 @!p0 s5, $0x0  }
0x1f: {  	s9 =	smul.u32 $0xF7A, s1;
	s8 =	simm.s32 @!p0 $0x1BF5;
	p2 =	por !p2, p0  }
0x20: {  	[sflag:s8] =	ssyncset.s32 @!p0 $0xFFFFF086;
	s6 =	sadd.s32 @!p0 s3, s7;
	s7 =	simm.s32 @!p0 $0x108  }
0x21: {  	s3 =	sadd.s32 s3, s9;
	s6 =	sadd.s32 @!p0 $0x88, s6;
	s7 =	simm.s32 @p2 $0x1082  }
0x22: {  	[simem:s7], [sflag:s8] =	dma.local @!p0 [hbm:s6], $0xF7A  }
0x23: {  	s9 =	sor.u32 $0xD0000000, s2;
	s6 =	simm.s32 $0x108;
	_ =	swait.ge @!p0 [sflag:s8], $0x0  }
0x24: {  	s3 =	sadd.s32 $0x88, s3;
	s6 =	simm.s32 @!p1 $0x1082;
	[sflag:s4] =	ssyncset.s32 $0xFFFFF086  }
0x25: {  	[simem:s6], [sflag:s4] =	dma.local [hbm:s3], $0xF7A  }
0x26: {  	[smem:$0x3F73] =	sst s1;
	(tag) =	ssettag s2;
	_ =	strace s9  }
0x27: {  	s1 =	sld [smem:$0x3F83]  }
0x28: {  	s2 =	sld [smem:$0x3F84]  }
0x29: {  	s4 =	sld [smem:$0x3F86]  }
0x2a: {  	p0 =	seq.s32 s5, $0x0;
	s5 =	sld [smem:$0x3F87]  }
0x2b: {  	s6 =	sld [smem:$0x3F88]  }
0x2c: {  	s7 =	sld [smem:$0x3F89]  }
0x2d: {  	s3 =	simm.s32 $0x108;
	s8 =	sld [smem:$0x3F8A]  }
0x2e: {  	s3 =	simm.s32 @!p0 $0x1082;
	s9 =	sld [smem:$0x3F8B]  }
0x2f: {  	lr =	sadd.s32 s0, s3;
	s0 =	sld [smem:$0x3F82]  }
0x30: {  	s3 =	sld [smem:$0x3F85]  }
0x31: {  	[smem:$0x3F8E] =	sst s10  }
0x32: {  	s10 =	sld [smem:$0x3F8C];
	_ =	sdelay $0x3  }
0x33: {  	p0 =	seq.s32 s10, $0x1;
	s10 =	sld [smem:$0x3F8E];
	_ =	sdelay $0x3  }
0x34: {  	[smem:$0x3F8E] =	sst s10  }
0x35: {  	s10 =	sld [smem:$0x3F8D];
	_ =	sdelay $0x3  }
0x36: {  	p1 =	seq.s32 s10, $0x1;
	s10 =	sld [smem:$0x3F8E];
	_ =	sdelay $0x3  }
0x37: {  	[smem:$0x3F8E] =	sst s10  }
0x38: {  	s10 =	sld [smem:$0x3F8F]  }
0x39: {  	_ = 	snop;
	(pc) =	sbr.ind lr, $3  }
0x3a: {  	_ = 	snop  }
0x3b: {  	_ = 	snop  }
0x3c: {  	p2 =	seq.s32 s10, $0x1;
	s10 =	sld [smem:$0x3F8E]  }
0x3d: {  	_ =	shalt  }
0x3e: {  	_ =	shalt  }
0x3f: {  	_ =	shalt  }
0x40: {  	_ =	shalt  }
0x41: {  	_ =	shalt  }
0x42: {  	_ =	shalt  }
0x43: {  	_ =	shalt  }
0x44: {  	_ =	shalt  }
0x45: {  	_ =	shalt  }
0x46: {  	_ =	shalt  }
0x47: {  	_ =	shalt  }
0x48: {  	_ =	shalt  }
0x49: {  	_ =	shalt  }
0x4a: {  	_ =	shalt  }
0x4b: {  	_ =	shalt  }
0x4c: {  	_ =	shalt  }
0x4d: {  	_ =	shalt  }
0x4e: {  	_ =	shalt  }
0x4f: {  	_ =	shalt  }
0x50: {  	_ =	shalt  }
0x51: {  	_ =	shalt  }
0x52: {  	_ =	shalt  }
0x53: {  	_ =	shalt  }
0x54: {  	_ =	shalt  }
0x55: {  	_ =	shalt  }
0x56: {  	_ =	shalt  }
0x57: {  	_ =	shalt  }
0x58: {  	_ =	shalt  }
0x59: {  	_ =	shalt  }
0x5a: {  	_ =	shalt  }
0x5b: {  	_ =	shalt  }
0x5c: {  	_ =	shalt  }
0x5d: {  	_ =	shalt  }
0x5e: {  	_ =	shalt  }
0x5f: {  	_ =	shalt  }
0x60: {  	_ =	shalt  }
0x61: {  	_ =	shalt  }
0x62: {  	_ =	shalt  }
0x63: {  	_ =	shalt  }
0x64: {  	_ =	shalt  }
0x65: {  	_ =	shalt  }
0x66: {  	_ =	shalt  }
0x67: {  	_ =	shalt  }
0x68: {  	_ =	shalt  }
0x69: {  	_ =	shalt  }
0x6a: {  	_ =	shalt  }
0x6b: {  	_ =	shalt  }
0x6c: {  	_ =	shalt  }
0x6d: {  	_ =	shalt  }
0x6e: {  	_ =	shalt  }
0x6f: {  	_ =	shalt  }
0x70: {  	_ =	shalt  }
0x71: {  	_ =	shalt  }
0x72: {  	_ =	shalt  }
0x73: {  	_ =	shalt  }
0x74: {  	_ =	shalt  }
0x75: {  	_ =	shalt  }
0x76: {  	_ =	shalt  }
0x77: {  	_ =	shalt  }
0x78: {  	_ =	shalt  }
0x79: {  	_ =	shalt  }
0x7a: {  	_ =	shalt  }
0x7b: {  	_ =	shalt  }
0x7c: {  	_ =	shalt  }
0x7d: {  	_ =	shalt  }
0x7e: {  	_ =	shalt  }
0x7f: {  	_ =	shalt  }
0x80: {  	_ =	shalt  }
0x81: {  	_ =	shalt  }
0x82: {  	_ =	shalt  }
0x83: {  	_ =	shalt  }
0x84: {  	_ =	shalt  }
0x85: {  	_ =	shalt  }
0x86: {  	_ =	shalt  }
0x87: {  	_ =	shalt  }
.Lfunc_end0:
.L_simem_size_0:
called_computation_lowered:
.L_overlay_start_0:
0x88: {  	s2 =	sld [smem:$0x3FD9]  }
0x89: {  	s3 =	sld [smem:$0x3FFE];
	_ =	sdelay $0x1  }
0x8a: {  	s1 =	srdreg.scid  }
0x8b: {  	s0 =	sand.u32 $0x1, s1  }
0x8c: {  	s14 =	sshll.u32 s0, $0xA;
	s2 =	sadd.s32 s3, s2  }
0x8d: {  	s2 =	sadd.s32 s2, s14  }
0x8e: {  	[smem:$0x3F9A] =	sst s2  }
0x8f: {  	_ = 	snop  }
0x90: {  	s2 =	sld [smem:$0x3FD0];
	_ =	sdelay $0x2  }
0x91: {  	s15 =	simm.s32 $0xA;
	s4 =	simm.s32 $0x10  }
0x92: {  	[smem:s4], [sflag:s15] =	dma.local [hbm:s2], $0x1  }
0x93: {  	_ =	swait.eq [sflag:s15], $0x1  }
0x94: {  	[sflag:s15] =	ssyncset.done $0x0  }
0x95: {  	[sflag:s15] =	ssyncadd.s32 $0xFFFFFFFF  }
0x96: {  	s16 =	sld [smem:$0x10];
	(tm) =	ssettm $0x1  }
0x97: {  	s17 =	sld [smem:$0x3FFB];
	_ =	sdelay $0x3  }
0x98: {  	_ =	strace s17  }
0x99: {  	s3 =	sld [smem:$0x3FFC];
	_ =	sdelay $0x3  }
0x9a: {  	_ =	strace s3  }
0x9b: {  	s3 =	sld [smem:$0x3FFD];
	_ =	sdelay $0x3  }
0x9c: {  	_ =	strace s3  }
0x9d: {  	_ =	strace $0x8FFFFFFF  }
0x9e: {  	s18 =	sld [smem:$0x3FDB];
	_ =	sdelay $0x1  }
0x9f: {  	s19 =	simm.s32 $_scs_section_size  }
0xa0: {  	s5 =	simm.s32 $_size__tile_overlayer_lowered;
	s6 =	simm.s32 $_tile_overlayer_lowered  }
0xa1: {  	s22 =	simm.s32 $0x1BFF;
	s21 =	sshll.u32 s6, $0x1;
	s3 =	sadd.s32 s19, s18  }
0xa2: {  	s7 =	simm.s32 $0x0;
	s20 =	sshll.u32 s5, $0x1;
	s5 =	sadd.s32 s21, s3  }
0xa3: {  	[timem:s7], [sflag:s22] =	dma.local [hbm:s5], s20  }
0xa4: {  	_ =	swait.ge [sflag:s22], s20  }
0xa5: {  	s4 =	ssub.s32 $0x0, s20;
	[sflag:s22] =	ssyncset.done $0x0  }
0xa6: {  	[sflag:s22] =	ssyncadd.s32 s4;
	_ =	sdelay $0x1  }
0xa7: {  	s23 =	simm.s32 $0x1B8B  }
0xa8: {  	_ =	swait.ge [sflag:s23], $0x1  }
0xa9: {  	[sflag:s23] =	ssyncset.done $0x0  }
0xaa: {  	s25 =	simm.s32 $0x1B8E;
	s24 =	sld [smem:$0x3FFE];
	[sflag:s23] =	ssyncadd.s32 $0xFFFFFFFF  }
0xab: {  	s26 =	simm.s32 $execute0_lowered;
	[smem:$0x3FD2] =	sst s25  }
0xac: {  	s5 =	sshll.u32 s26, $0x1;
	_ =	strace $0x80000046;
	[dreg:$0x1] =	wrdreg $0xFFFFFFFF  }
0xad: {  	s28 =	simm.s32 $_size_execute0_lowered;
	s3 =	sadd.s32 s3, s5;
	[dreg:$0x0] =	wrdreg $0x0  }
0xae: {  	s5 =	sshll.u32 s28, $0x1;
	[dreg:$0x2] =	wrdreg s3  }
0xaf: {  	[dreg:$0x3] =	wrdreg s5  }
0xb0: {  	[dreg:$0x4] =	wrdreg $0xC0  }
0xb1: {  	_ =	task [dreg:s7], $0x5FFFF  }
0xb2: {  	[dreg:$0x1] =	wrdreg $0xFFFFFFFF  }
0xb3: {  	[dreg:$0x0] =	wrdreg $0x60  }
0xb4: {  	[dreg:$0x2] =	wrdreg s24  }
0xb5: {  	[dreg:$0x3] =	wrdreg s16  }
0xb6: {  	[dreg:$0x4] =	wrdreg $0x7A800  }
0xb7: {  	[dreg:$0x5] =	wrdreg $0x1BA800  }
0xb8: {  	[dreg:$0x6] =	wrdreg $0x9  }
0xb9: {  	_ =	task.clear_ibuf [dreg:s7], $0x7FFFF;
	_ =	strace $0x90000046  }
0xba: {  	s29 =	simm.s32 $0x9;
	_ =	strace $0x80000048  }
0xbb: {  	_ =	swait.ge [sflag:s29], $0x1  }
0xbc: {  	[sflag:s29] =	ssyncadd.s32 $0xFFFFFFFF  }
0xbd: {  	_ =	strace $0x90000048  }
0xbe: {  	_ =	sfence  }
0xbf: {  	s30 =	sld [smem:$0x0];
	_ =	sdelay $0x2  }
0xc0: {  	s31 =	sshll.u32 s1, $0xD;
	s1 =	sshrl.u32 s1, $0x2  }
0xc1: {  	s3 =	sand.u32 $0x4000, s31;
	s1 =	sadd.s32 s1, s30  }
0xc2: {  	s0 =	sor.u32 s3, s0;
	s1 =	sshll.u32 s1, $0x11  }
0xc3: {  	s0 =	sor.u32 s1, s0  }
0xc4: {  	s0 =	sadd.s32 $0x8F2B, s0  }
0xc5: {  	[sflag:s0] =	ssyncadd.remote.s32 $0x1  }
0xc6: {  	_ =	sfence.sel $0xFFFF  }
0xc7: {  	[dreg:$0x0] =	wrdreg $0xFFFFFFFF;
	(pc) =	sbr.abs _section_cstart, $3  }
0xc8: {  	[dreg:$0x1] =	wrdreg $0xFFFFFFFF  }
0xc9: {  	_ =	task.clear_ibuf [dreg:s7], $0x2FFFF;
	_ =	strace $0x9FFFFFFF  }
0xca: {  	(tm) =	ssettm $0x7FFFFFFF  }
0xcb: {  	_ =	shalt  }
tec
execute0_lowered:
.L_overlay_start_1:
0x0: {  	(tag) =	ssettag $0x1  }
0x1: {  	s0 =	srdreg.scid  }
0x2: {  	s29 =	stileid.u32;
	s9 =	rddreg [dreg:$0x0]  }
0x3: {  	s1 =	simm.s32 $0x0;
	s30 =	simm.s32 $0x2;
	s23 =	smul.u32 $0x27100, s29  }
0x4: {  	s31 =	simm.s32 $0x3;
	s10 =	sand.u32 $0x1, s0;
	s17 =	smul.u32 $0x280, s29  }
0x5: {  	[smem:$0x7FF] =	sst s1;
	s2 =	smul.u32 $0x271000, s10;
	s3 =	ssub.s32 $0x2, s10  }
0x6: {  	s20 =	sadd.s32 $0x6AF400, s9;
	s22 =	smul.u32 $0x2800, s10;
	s24 =	sshrl.u32 s3, $0x1  }
0x7: {  	s18 =	sor.u32 $0x28, s17;
	s19 =	sor.u32 $0x50, s17;
	s16 =	sor.u32 $0x78, s17  }
0x8: {  	s14 =	sadd.s32 $0xA0, s17;
	s15 =	sadd.s32 $0xC8, s17;
	s13 =	sadd.s32 $0xF0, s17  }
0x9: {  	s11 =	sadd.s32 $0x118, s17;
	s12 =	sadd.s32 $0x140, s17;
	s4 =	sadd.s32 $0x1B8, s17  }
0xa: {  	s5 =	sadd.s32 $0x1E0, s17;
	s6 =	sadd.s32 $0x208, s17;
	s7 =	sadd.s32 $0x230, s17  }
0xb: {  	s8 =	sadd.s32 $0x258, s17;
	s21 =	sadd.s32 s23, s2;
	s0 =	ssub.s32 s3, s24  }
0xc: {  	s2 =	sadd.s32 $0x168, s17;
	s3 =	sadd.s32 $0x190, s17;
	s23 =	sadd.s32 s17, s22  }
0xd: {  	s25 =	sadd.s32 s22, s18;
	s24 =	sadd.s32 s22, s19;
	s18 =	sshll.u32 s18, $0x7  }
0xe: {  	s19 =	sshll.u32 s19, $0x7;
	s17 =	sshll.u32 s25, $0x4;
	s25 =	sshll.u32 s23, $0x4  }
0xf: {  	s24 =	sshll.u32 s24, $0x4;
	s21 =	sadd.s32 s21, s9;
	s25 =	sadd.s32 s20, s25  }
0x10: {  	s0 =	smax.u32 s0, $0x1;
	s17 =	sadd.s32 s20, s17;
	[dreg:$0x5] =	wrdreg s25  }
0x11: {  	s26 =	sadd.s32 s20, s24;
	s24 =	sadd.s32 s22, s16;
	[dreg:$0x6] =	wrdreg s17  }
0x12: {  	[dreg:$0x7] =	wrdreg s26;
	s25 =	sadd.s32 s22, s14;
	s26 =	sadd.s32 s22, s15  }
0x13: {  	s17 =	sshll.u32 s24, $0x4;
	s14 =	sshll.u32 s14, $0x7;
	s15 =	sshll.u32 s15, $0x7  }
0x14: {  	s24 =	sshll.u32 s25, $0x4;
	s25 =	sshll.u32 s26, $0x4;
	s17 =	sadd.s32 s20, s17  }
0x15: {  	[dreg:$0x8] =	wrdreg s17;
	s24 =	sadd.s32 s20, s24;
	s26 =	sadd.s32 s20, s25  }
0x16: {  	s25 =	sadd.s32 s22, s11;
	[dreg:$0x9] =	wrdreg s24;
	s24 =	sadd.s32 s22, s13  }
0x17: {  	[dreg:$0xa] =	wrdreg s26;
	s26 =	sadd.s32 s22, s12;
	s17 =	sshll.u32 s24, $0x4  }
0x18: {  	s24 =	sshll.u32 s25, $0x4;
	s25 =	sshll.u32 s26, $0x4;
	s17 =	sadd.s32 s20, s17  }
0x19: {  	s24 =	sadd.s32 s20, s24;
	s26 =	sadd.s32 s20, s25;
	[dreg:$0xb] =	wrdreg s17  }
0x1a: {  	s25 =	sadd.s32 s22, s3;
	[dreg:$0xc] =	wrdreg s24;
	s24 =	sadd.s32 s22, s2  }
0x1b: {  	[dreg:$0xd] =	wrdreg s26;
	s26 =	sadd.s32 s22, s4;
	s17 =	sshll.u32 s24, $0x4  }
0x1c: {  	s2 =	sshll.u32 s2, $0x7;
	s24 =	sshll.u32 s25, $0x4;
	s17 =	sadd.s32 s20, s17  }
0x1d: {  	s25 =	sshll.u32 s26, $0x4;
	s24 =	sadd.s32 s20, s24;
	[dreg:$0xe] =	wrdreg s17  }
0x1e: {  	s26 =	sadd.s32 s20, s25;
	s25 =	sadd.s32 s22, s6;
	[dreg:$0xf] =	wrdreg s24  }
0x1f: {  	[dreg:$0x10] =	wrdreg s26;
	s24 =	sadd.s32 s22, s5;
	s26 =	sadd.s32 s22, s7  }
0x20: {  	s17 =	sshll.u32 s24, $0x4;
	s24 =	sshll.u32 s25, $0x4;
	s25 =	sshll.u32 s26, $0x4  }
0x21: {  	s26 =	sadd.s32 s22, s8;
	s22 =	rddreg [dreg:$0x1];
	s17 =	sadd.s32 s20, s17  }
0x22: {  	s8 =	sshll.u32 s8, $0x7;
	s24 =	sadd.s32 s20, s24;
	[dreg:$0x11] =	wrdreg s17  }
0x23: {  	s25 =	sadd.s32 s20, s25;
	s22 =	sadd.s32 s22, s23;
	[dreg:$0x12] =	wrdreg s24  }
0x24: {  	s23 =	sadd.s32 $0x576A00, s9;
	[dreg:$0x13] =	wrdreg s25;
	s24 =	smul.u32 $0x1F400, s10  }
0x25: {  	s25 =	sshll.u32 s26, $0x4;
	s17 =	rddreg [dreg:$0x2];
	s26 =	smul.u32 $0x1F40, s29  }
0x26: {  	[dreg:$0x15] =	wrdreg s22;
	s22 =	sadd.s32 $0x612E00, s9;
	s20 =	sadd.s32 s20, s25  }
0x27: {  	s25 =	smul.u32 $0x50000, s29;
	s2 =	sadd.s32 s2, s17;
	[dreg:$0x14] =	wrdreg s20  }
0x28: {  	s8 =	sadd.s32 s8, s17;
	s24 =	sadd.s32 s24, s9;
	s20 =	rddreg [dreg:$0x3]  }
0x29: {  	s24 =	sadd.s32 s26, s24;
	_ =	strace $0x80000047;
	[dreg:$0x1f] =	wrdreg s2  }
0x2a: {  	s26 =	smul.u32 $0x2710, s10;
	s10 =	sxor.u32 $0x1, s10;
	[smem:$0x7FD] =	sst s0  }
0x2b: {  	s0 =	simm.s32 $0x0;
	s28 =	smul.u32 $0x2710, s10;
	s10 =	sshrl.u32 s25, $0x2  }
0x2c: {  	s25 =	sadd.s32 s19, s17;
	s19 =	sshll.u32 s11, $0x7;
	s11 =	sshll.u32 s3, $0x7  }
0x2d: {  	s9 =	sadd.s32 s10, s17;
	[dreg:$0x18] =	wrdreg s25;
	s10 =	sshll.u32 s16, $0x7  }
0x2e: {  	s16 =	sadd.s32 s15, s17;
	s25 =	sshll.u32 s12, $0x7;
	s12 =	sshll.u32 s4, $0x7  }
0x2f: {  	s2 =	sadd.s32 s11, s17;
	s15 =	sshll.u32 s6, $0x7;
	[dreg:$0x16] =	wrdreg s9  }
0x30: {  	s11 =	simm.s32 $0x1680;
	v0 =	vmov s26;
	s26 =	simm.s32 $0x3680;
	[dreg:$0x1b] =	wrdreg s16  }
0x31: {  	s9 =	sadd.s32 s18, s17;
	s18 =	sshll.u32 s13, $0x7;
	[smem:$0x7FA] =	sst s2  }
0x32: {  	s13 =	sadd.s32 s12, s17;
	s16 =	smul.u32 $0x5000, s29;
	s6 =	sadd.s32 s15, s17  }
0x33: {  	s12 =	sadd.s32 $0x8000, s24;
	s15 =	simm.s32 $0x6680;
	s24 =	simm.s32 $0x2680  }
0x34: {  	v1 =	vmov s28;
	s28 =	simm.s32 $0x3E80;
	s29 =	simm.s32 $0x1;
	[dreg:$0x17] =	wrdreg s9  }
0x35: {  	s9 =	sadd.s32 s10, s17;
	s10 =	sadd.s32 s25, s17;
	[smem:$0x7FB] =	sst s13  }
0x36: {  	s25 =	sadd.s32 $0x94A00, s21;
	s13 =	simm.s32 $0x5280;
	[dreg:$0x19] =	wrdreg s9  }
0x37: {  	s21 =	simm.s32 $0x280;
	s9 =	sadd.s32 s14, s17;
	[dreg:$0x1e] =	wrdreg s10  }
0x38: {  	s14 =	sshll.u32 s5, $0x7;
	[smem:$0x7FC] =	sst s25;
	s10 =	simm.s32 $0x1E80  }
0x39: {  	s25 =	simm.s32 $0x2E80;
	[dreg:$0x1a] =	wrdreg s9;
	s9 =	sadd.s32 s18, s17  }
0x3a: {  	s5 =	sadd.s32 s14, s17;
	s18 =	sshll.u32 s7, $0x7;
	s14 =	simm.s32 $0x4  }
0x3b: {  	v5 =	vlaneseq.u32;
	[dreg:$0x1c] =	wrdreg s9;
	s9 =	sadd.s32 s19, s17;
	s7 =	sadd.s32 s18, s17  }
0x3c: {  	v2 =	vimm.f32 $0.0e+00;
	vm0 =	vmmov $0xffff;
	v4 =	vshrl.u32 v5, $0x3;
	s19 =	sshrl.u32 s16, $0x2;
	s16 =	simm.s32 $0x28;
	s18 =	simm.s32 $0x200  }
0x3d: {  	v3 =	vand.u32 $0x7, v5;
	v5 =	vor.u32 $0x8, v5;
	v4 =	vmul.u32 $0x8, v4;
	[dreg:$0x1d] =	wrdreg s9;
	s9 =	sadd.s32 s19, s20;
	s19 =	simm.s32 $0x100  }
.LBB2_1:
0x3e: {  	s2 =	simm.s32 $0x0;
	s3 =	simm.s32 $0x200  }
.LBB2_2:
0x3f: {  	p0 =	sne.s32 s3, $0x4E00;
	[tilespmem:s2+$0x66F0] =	vst v2  }
0x40: {  	[tilespmem:s2+$0x5280] =	vst v2  }
0x41: {  	[tilespmem:s2+$0x6680] =	vst v2  }
0x42: {  	[tilespmem:s2+$0x5290] =	vst v2  }
0x43: {  	[tilespmem:s2+$0x6690] =	vst v2  }
0x44: {  	[tilespmem:s2+$0x52A0] =	vst v2  }
0x45: {  	[tilespmem:s2+$0x66A0] =	vst v2  }
0x46: {  	[tilespmem:s2+$0x52B0] =	vst v2  }
0x47: {  	[tilespmem:s2+$0x66B0] =	vst v2  }
0x48: {  	[tilespmem:s2+$0x52C0] =	vst v2  }
0x49: {  	[tilespmem:s2+$0x66C0] =	vst v2  }
.Ltmp0:
0x4a: {  	[tilespmem:s2+$0x52D0] =	vst v2;
	(pc) =	sbr.rel @p0 .LBB2_2-.Ltmp0, $4  }
0x4b: {  	[tilespmem:s2+$0x66D0] =	vst v2  }
0x4c: {  	[tilespmem:s2+$0x52E0] =	vst v2  }
0x4d: {  	[tilespmem:s2+$0x66E0] =	vst v2  }
0x4e: {  	[tilespmem:s2+$0x52F0] =	vst v2;
	s2 =	sshra.s32 s3, $0x2;
	s3 =	sadd.s32 $0x200, s3  }
0x4f: {  	[tilespmem:s2+$0x66F0] =	vst v2  }
0x50: {  	[tilespmem:s2+$0x5280] =	vst v2  }
0x51: {  	[tilespmem:s2+$0x6680] =	vst v2  }
0x52: {  	[tilespmem:s2+$0x5290] =	vst v2  }
0x53: {  	[tilespmem:s2+$0x6690] =	vst v2  }
0x54: {  	[tilespmem:s2+$0x52A0] =	vst v2  }
0x55: {  	[tilespmem:s2+$0x66A0] =	vst v2  }
0x56: {  	[tilespmem:s2+$0x52B0] =	vst v2  }
0x57: {  	[tilespmem:s2+$0x66B0] =	vst v2  }
0x58: {  	[tilespmem:s2+$0x52C0] =	vst v2  }
0x59: {  	[tilespmem:s2+$0x66C0] =	vst v2  }
0x5a: {  	[tilespmem:s2+$0x52D0] =	vst v2  }
0x5b: {  	[tilespmem:s2+$0x66D0] =	vst v2  }
0x5c: {  	[tilespmem:s2+$0x52E0] =	vst v2  }
0x5d: {  	[tilespmem:s2+$0x66E0] =	vst v2  }
0x5e: {  	[tilespmem:s2+$0x52F0] =	vst v2;
	s3 =	rddreg [dreg:$0x16]  }
0x5f: {  	[spmem:s3] =	stream.linear.scatter [tilespmem:s13], [sflag:$0x4], $0x1400, $0x38;
	[tilespmem:$0x1CE80] =	vst v63  }
0x60: {  	_ =	swait.ge [sflag:s14], $0x1400  }
0x61: {  	[sflag:s14] =	ssyncset.done $0x0  }
0x62: {  	s4 =	rddreg [dreg:$0x17];
	[sflag:s14] =	ssyncadd.s32 $0xFFFFEC00  }
0x63: {  	[spmem:s4] =	stream.linear.scatter [tilespmem:s13], [sflag:$0x4], $0x1400, $0x38;
	[tilespmem:$0x1CE80] =	vst v63  }
0x64: {  	_ =	swait.ge [sflag:s14], $0x1400  }
0x65: {  	[sflag:s14] =	ssyncset.done $0x0  }
0x66: {  	s3 =	rddreg [dreg:$0x18];
	[sflag:s14] =	ssyncadd.s32 $0xFFFFEC00  }
0x67: {  	[spmem:s3] =	stream.linear.scatter [tilespmem:s13], [sflag:$0x4], $0x1400, $0x38;
	[tilespmem:$0x1CE80] =	vst v63  }
0x68: {  	_ =	swait.ge [sflag:s14], $0x1400  }
0x69: {  	[sflag:s14] =	ssyncset.done $0x0  }
0x6a: {  	s4 =	rddreg [dreg:$0x19];
	[sflag:s14] =	ssyncadd.s32 $0xFFFFEC00  }
0x6b: {  	[spmem:s4] =	stream.linear.scatter [tilespmem:s13], [sflag:$0x4], $0x1400, $0x38;
	[tilespmem:$0x1CE80] =	vst v63  }
0x6c: {  	_ =	swait.ge [sflag:s14], $0x1400  }
0x6d: {  	[sflag:s14] =	ssyncset.done $0x0  }
0x6e: {  	s3 =	rddreg [dreg:$0x1a];
	[sflag:s14] =	ssyncadd.s32 $0xFFFFEC00  }
0x6f: {  	[spmem:s3] =	stream.linear.scatter [tilespmem:s13], [sflag:$0x4], $0x1400, $0x38;
	[tilespmem:$0x1CE80] =	vst v63  }
0x70: {  	_ =	swait.ge [sflag:s14], $0x1400  }
0x71: {  	[sflag:s14] =	ssyncset.done $0x0  }
0x72: {  	s4 =	rddreg [dreg:$0x1b];
	[sflag:s14] =	ssyncadd.s32 $0xFFFFEC00  }
0x73: {  	[spmem:s4] =	stream.linear.scatter [tilespmem:s13], [sflag:$0x4], $0x1400, $0x38;
	[tilespmem:$0x1CE80] =	vst v63  }
0x74: {  	_ =	swait.ge [sflag:s14], $0x1400  }
0x75: {  	[sflag:s14] =	ssyncset.done $0x0  }
0x76: {  	s3 =	rddreg [dreg:$0x1c];
	[sflag:s14] =	ssyncadd.s32 $0xFFFFEC00  }
0x77: {  	[spmem:s3] =	stream.linear.scatter [tilespmem:s13], [sflag:$0x4], $0x1400, $0x38;
	[tilespmem:$0x1CE80] =	vst v63  }
0x78: {  	_ =	swait.ge [sflag:s14], $0x1400  }
0x79: {  	[sflag:s14] =	ssyncset.done $0x0  }
0x7a: {  	s4 =	rddreg [dreg:$0x1d];
	[sflag:s14] =	ssyncadd.s32 $0xFFFFEC00  }
0x7b: {  	[spmem:s4] =	stream.linear.scatter [tilespmem:s13], [sflag:$0x4], $0x1400, $0x38;
	[tilespmem:$0x1CE80] =	vst v63  }
0x7c: {  	_ =	swait.ge [sflag:s14], $0x1400  }
0x7d: {  	[sflag:s14] =	ssyncset.done $0x0  }
0x7e: {  	s3 =	rddreg [dreg:$0x1e];
	[sflag:s14] =	ssyncadd.s32 $0xFFFFEC00  }
0x7f: {  	[spmem:s3] =	stream.linear.scatter [tilespmem:s13], [sflag:$0x4], $0x1400, $0x38;
	[tilespmem:$0x1CE80] =	vst v63  }
0x80: {  	_ =	swait.ge [sflag:s14], $0x1400  }
0x81: {  	[sflag:s14] =	ssyncset.done $0x0  }
0x82: {  	s4 =	rddreg [dreg:$0x1f];
	[sflag:s14] =	ssyncadd.s32 $0xFFFFEC00  }
0x83: {  	[spmem:s4] =	stream.linear.scatter [tilespmem:s13], [sflag:$0x4], $0x1400, $0x38;
	[tilespmem:$0x1CE80] =	vst v63  }
0x84: {  	_ =	swait.ge [sflag:s14], $0x1400  }
0x85: {  	s3 =	sld [smem:$0x7FA]  }
0x86: {  	[sflag:s14] =	ssyncset.done $0x0  }
0x87: {  	[sflag:s14] =	ssyncadd.s32 $0xFFFFEC00  }
0x88: {  	[spmem:s3] =	stream.linear.scatter [tilespmem:s13], [sflag:$0x4], $0x1400, $0x38;
	[tilespmem:$0x1CE80] =	vst v63  }
0x89: {  	_ =	swait.ge [sflag:s14], $0x1400  }
0x8a: {  	s4 =	sld [smem:$0x7FB]  }
0x8b: {  	[sflag:s14] =	ssyncset.done $0x0  }
0x8c: {  	[sflag:s14] =	ssyncadd.s32 $0xFFFFEC00  }
0x8d: {  	[spmem:s4] =	stream.linear.scatter [tilespmem:s13], [sflag:$0x4], $0x1400, $0x38;
	[tilespmem:$0x1CE80] =	vst v63  }
0x8e: {  	_ =	swait.ge [sflag:s14], $0x1400  }
0x8f: {  	[sflag:s14] =	ssyncset.done $0x0  }
0x90: {  	[sflag:s14] =	ssyncadd.s32 $0xFFFFEC00  }
0x91: {  	[spmem:s5] =	stream.linear.scatter [tilespmem:s13], [sflag:$0x4], $0x1400, $0x38;
	[tilespmem:$0x1CE80] =	vst v63  }
0x92: {  	_ =	swait.ge [sflag:s14], $0x1400  }
0x93: {  	[sflag:s14] =	ssyncset.done $0x0  }
0x94: {  	[sflag:s14] =	ssyncadd.s32 $0xFFFFEC00  }
0x95: {  	[spmem:s6] =	stream.linear.scatter [tilespmem:s13], [sflag:$0x4], $0x1400, $0x38;
	[tilespmem:$0x1CE80] =	vst v63  }
0x96: {  	_ =	swait.ge [sflag:s14], $0x1400  }
0x97: {  	[sflag:s14] =	ssyncset.done $0x0  }
0x98: {  	[sflag:s14] =	ssyncadd.s32 $0xFFFFEC00  }
0x99: {  	[spmem:s7] =	stream.linear.scatter [tilespmem:s13], [sflag:$0x4], $0x1400, $0x38;
	[tilespmem:$0x1CE80] =	vst v63  }
0x9a: {  	_ =	swait.ge [sflag:s14], $0x1400  }
0x9b: {  	[sflag:s14] =	ssyncset.done $0x0  }
0x9c: {  	[sflag:s14] =	ssyncadd.s32 $0xFFFFEC00  }
0x9d: {  	[spmem:s8] =	stream.linear.scatter [tilespmem:s13], [sflag:$0x4], $0x1400, $0x38;
	[tilespmem:$0x1CE80] =	vst v63  }
0x9e: {  	_ =	swait.ge [sflag:s14], $0x1400  }
0x9f: {  	[sflag:s14] =	ssyncset.done $0x0  }
0xa0: {  	[sflag:s14] =	ssyncadd.s32 $0xFFFFEC00  }
0xa1: {  	[spmem:s9] =	stream.linear.scatter [tilespmem:s15], [sflag:$0x4], $0x1400, $0x38;
	[tilespmem:$0x1CE80] =	vst v63  }
0xa2: {  	_ =	swait.ge [sflag:s14], $0x1400  }
0xa3: {  	[sflag:s14] =	ssyncset.done $0x0  }
0xa4: {  	[sflag:s14] =	ssyncadd.s32 $0xFFFFEC00  }
0xa5: {  	[bflag:$0x0] =	sbarrier.arrive $0xFFFF  }
0xa6: {  	s2 =	simm.s32 $0x0;
	s3 =	sld [smem:$0x7FC]  }
.LBB2_4:
0xa7: {  	s4 =	sadd.s32 s2, s12  }
0xa8: {  	[tilespmem:s1], [sflag:$0x4] =	stream.linear.gather [hbm4b:s4+s1], $0x100, $0x38;
	[tilespmem:$0x1CE80] =	vst v63  }
0xa9: {  	_ =	swait.ge [sflag:s14], $0x100  }
0xaa: {  	[sflag:s14] =	ssyncset.done $0x0  }
0xab: {  	[sflag:s14] =	ssyncadd.s32 $0xFFFFFF00  }
0xac: {  	v6 =	vld [tilespmem:$0x0];
	_ =	sdelay $0x1  }
0xad: {  	v7 =	vld [tilespmem:$0x80]  }
0xae: {  	v8 =	vld [tilespmem:$0x10];
	_ =	sdelay $0x1  }
0xaf: {  	v10 =	vld [tilespmem:$0x90];
	v9 =	vadd.s32 v0, v6  }
0xb0: {  	v63 =	vld [tilespmem:$0x18];
	v6 =	vshra.s32 v6, $0x4;
	[tilespmem:$0x100] =	vst v9  }
0xb1: {  	[tilespmem:$0x200] =	vst v6;
	v6 =	vadd.s32 v1, v7  }
0xb2: {  	v7 =	vld [tilespmem:$0x98];
	[tilespmem:$0x180] =	vst v6;
	v6 =	vadd.s32 v0, v8  }
0xb3: {  	[tilespmem:$0x110] =	vst v6;
	v6 =	vshra.s32 v8, $0x4  }
0xb4: {  	[tilespmem:$0x210] =	vst v6;
	v6 =	vadd.s32 v1, v10  }
0xb5: {  	[tilespmem:$0x190] =	vst v6;
	v6 =	vadd.s32 v0, v63  }
0xb6: {  	[tilespmem:$0x118] =	vst v6;
	v6 =	vshra.s32 v63, $0x4  }
0xb7: {  	[tilespmem:$0x218] =	vst v6;
	v6 =	vadd.s32 v1, v7  }
0xb8: {  	[tilespmem:$0x198] =	vst v6  }
0xb9: {  	[tilespmem:s21], [sflag:$0x1] =	stream.indirect.gather [hbm4b:s22+s16], $0x80, s19, s16, $0xb8;
	[tilespmem:$0x1CE80] =	vst v63  }
0xba: {  	v6 =	vld [tilespmem:$0x180];
	_ =	sdelay $0x4  }
0xbb: {  	v7 =	vshll.u32 v6, $0x1  }
0xbc: {  	v6 =	vand.u32 $0x7, v6;
	v7 =	vand.u32 $0xFFFFFFF0, v7  }
0xbd: {  	v6 =	vor.u32 v6, v7  }
0xbe: {  	v7 =	vperm.xlane v6, v3;
	_ =	sdelay $0x1  }
0xbf: {  	v6 =	vperm.xlane v6, v5;
	v7 =	vadd.s32 v4, v7;
	_ =	sdelay $0x1  }
0xc0: {  	v6 =	vadd.s32 v4, v6;
	_ =	sdelay $0x2  }
0xc1: {  	[tilespmem:s11], [sflag:$0x2] =	stream.indirect_vreg.gather [hbm4b:s23+s1], $0x80, v7, vm0, $0xb8;
	[tilespmem:$0x1CE80] =	vst v63  }
0xc2: {  	_ = 	snop  }
0xc3: {  	[tilespmem:s10], [sflag:$0x2] =	stream.indirect_vreg.gather [hbm4b:s23+s1], $0x80, v6, vm0, $0xb8;
	[tilespmem:$0x1CE80] =	vst v63  }
0xc4: {  	v6 =	vld [tilespmem:$0x190];
	_ =	sdelay $0x4  }
0xc5: {  	v7 =	vshll.u32 v6, $0x1  }
0xc6: {  	v6 =	vand.u32 $0x7, v6;
	v7 =	vand.u32 $0xFFFFFFF0, v7  }
0xc7: {  	v6 =	vor.u32 v6, v7  }
0xc8: {  	v7 =	vperm.xlane v6, v3;
	_ =	sdelay $0x1  }
0xc9: {  	v6 =	vperm.xlane v6, v5;
	v7 =	vadd.s32 v4, v7;
	_ =	sdelay $0x1  }
0xca: {  	v6 =	vadd.s32 v4, v6;
	_ =	sdelay $0x2  }
0xcb: {  	[tilespmem:s24], [sflag:$0x2] =	stream.indirect_vreg.gather [hbm4b:s23+s1], $0x80, v7, vm0, $0xb8;
	[tilespmem:$0x1CE80] =	vst v63  }
0xcc: {  	_ = 	snop  }
0xcd: {  	[tilespmem:s25], [sflag:$0x2] =	stream.indirect_vreg.gather [hbm4b:s23+s1], $0x80, v6, vm0, $0xb8;
	[tilespmem:$0x1CE80] =	vst v63  }
0xce: {  	v6 =	vld.msk [tilespmem:$0x1A0], $0xff;
	_ =	sdelay $0x4  }
0xcf: {  	v7 =	vshll.u32 v6, $0x1  }
0xd0: {  	v6 =	vand.u32 $0x7, v6;
	v7 =	vand.u32 $0xFFFFFFF0, v7  }
0xd1: {  	v6 =	vor.u32 v6, v7  }
0xd2: {  	v6 =	vperm.xlane v6, v3;
	_ =	sdelay $0x1  }
0xd3: {  	v6 =	vadd.s32 v4, v6;
	_ =	sdelay $0x4  }
0xd4: {  	[tilespmem:s26], [sflag:$0x2] =	stream.indirect_vreg.gather [hbm4b:s23+s1], $0x80, v6, vm0, $0xb8;
	[tilespmem:$0x1CE80] =	vst v63  }
0xd5: {  	_ = 	snop  }
0xd6: {  	[tilespmem:s28], [sflag:$0x3] =	stream.linear.gather [hbm4b:s3+s1], $0x1400, $0x38;
	[tilespmem:$0x1CE80] =	vst v63  }
0xd7: {  	_ =	swait.ge [sflag:s29], $0x1400  }
0xd8: {  	[sflag:s29] =	ssyncset.done $0x0  }
0xd9: {  	[sflag:s29] =	ssyncadd.s32 $0xFFFFEC00  }
0xda: {  	_ =	swait.ge [sflag:s30], $0x2800  }
0xdb: {  	[sflag:s30] =	ssyncset.done $0x0  }
0xdc: {  	[sflag:s30] =	ssyncadd.s32 $0xFFFFD800  }
0xdd: {  	_ =	swait.ge [sflag:s31], $0x1400  }
0xde: {  	[sflag:s31] =	ssyncset.done $0x0  }
0xdf: {  	[sflag:s31] =	ssyncadd.s32 $0xFFFFEC00  }
0xe0: {  	[spmem:s17] =	stream.indirect.scatter.add.f32 [tilespmem:s13], [sflag:$0x4], $0x80, s1, s16, $0xb8;
	[tilespmem:$0x1CE80] =	vst v63  }
0xe1: {  	_ =	swait.ge [sflag:s14], $0x1400  }
0xe2: {  	p0 =	sne.s32 s2, $0x1F20;
	[sflag:s14] =	ssyncset.done $0x0  }
.Ltmp1:
0xe3: {  	[sflag:s14] =	ssyncadd.s32 $0xFFFFEC00;
	(pc) =	sbr.rel @p0 .LBB2_4-.Ltmp1, $4  }
0xe4: {  	[spmem:s20] =	stream.indirect.scatter.add.f32 [tilespmem:s15], [sflag:$0x4], $0x80, s18, s16, $0xb8;
	[tilespmem:$0x1CE80] =	vst v63  }
0xe5: {  	_ =	swait.ge [sflag:s14], $0x1400  }
0xe6: {  	[sflag:s14] =	ssyncset.done $0x0  }
0xe7: {  	s2 =	sadd.s32 $0x20, s2;
	s3 =	sadd.s32 $0x280, s3;
	[sflag:s14] =	ssyncadd.s32 $0xFFFFEC00  }
0xe8: {  	s2 =	stileid.u32;
	[bflag:$0x0] =	sbarrier.arrive $0xFFFF  }
0xe9: {  	s2 =	sshll.u32 s2, $0x6;
	s3 =	rddreg [dreg:$0x16]  }
0xea: {  	s4 =	rddreg [dreg:$0x5];
	s2 =	sor.u32 $0x1C04, s2;
	s3 =	sshrl.u32 s3, $0x3  }
0xeb: {  	[hbm:s4], [sflag:s2] =	dma.local [spmem:s3], $0x280  }
0xec: {  	_ =	swait.ge [sflag:s14], $0x280  }
0xed: {  	[sflag:s14] =	ssyncset.done $0x0;
	s4 =	rddreg [dreg:$0x17]  }
0xee: {  	[sflag:s14] =	ssyncadd.s32 $0xFFFFFD80;
	s3 =	sshrl.u32 s4, $0x3;
	s4 =	rddreg [dreg:$0x6]  }
0xef: {  	[hbm:s4], [sflag:s2] =	dma.local [spmem:s3], $0x280  }
0xf0: {  	_ =	swait.ge [sflag:s14], $0x280  }
0xf1: {  	[sflag:s14] =	ssyncset.done $0x0;
	s4 =	rddreg [dreg:$0x18]  }
0xf2: {  	[sflag:s14] =	ssyncadd.s32 $0xFFFFFD80;
	s3 =	sshrl.u32 s4, $0x3;
	s4 =	rddreg [dreg:$0x7]  }
0xf3: {  	[hbm:s4], [sflag:s2] =	dma.local [spmem:s3], $0x280  }
0xf4: {  	_ =	swait.ge [sflag:s14], $0x280  }
0xf5: {  	[sflag:s14] =	ssyncset.done $0x0;
	s4 =	rddreg [dreg:$0x19]  }
0xf6: {  	[sflag:s14] =	ssyncadd.s32 $0xFFFFFD80;
	s3 =	sshrl.u32 s4, $0x3;
	s4 =	rddreg [dreg:$0x8]  }
0xf7: {  	[hbm:s4], [sflag:s2] =	dma.local [spmem:s3], $0x280  }
0xf8: {  	_ =	swait.ge [sflag:s14], $0x280  }
0xf9: {  	[sflag:s14] =	ssyncset.done $0x0;
	s4 =	rddreg [dreg:$0x1a]  }
0xfa: {  	[sflag:s14] =	ssyncadd.s32 $0xFFFFFD80;
	s3 =	sshrl.u32 s4, $0x3;
	s4 =	rddreg [dreg:$0x9]  }
0xfb: {  	[hbm:s4], [sflag:s2] =	dma.local [spmem:s3], $0x280  }
0xfc: {  	_ =	swait.ge [sflag:s14], $0x280  }
0xfd: {  	[sflag:s14] =	ssyncset.done $0x0;
	s4 =	rddreg [dreg:$0x1b]  }
0xfe: {  	[sflag:s14] =	ssyncadd.s32 $0xFFFFFD80;
	s3 =	sshrl.u32 s4, $0x3;
	s4 =	rddreg [dreg:$0xa]  }
0xff: {  	[hbm:s4], [sflag:s2] =	dma.local [spmem:s3], $0x280  }
0x100: {  	_ =	swait.ge [sflag:s14], $0x280  }
0x101: {  	[sflag:s14] =	ssyncset.done $0x0;
	s4 =	rddreg [dreg:$0x1c]  }
0x102: {  	[sflag:s14] =	ssyncadd.s32 $0xFFFFFD80;
	s3 =	sshrl.u32 s4, $0x3;
	s4 =	rddreg [dreg:$0xb]  }
0x103: {  	[hbm:s4], [sflag:s2] =	dma.local [spmem:s3], $0x280  }
0x104: {  	_ =	swait.ge [sflag:s14], $0x280  }
0x105: {  	[sflag:s14] =	ssyncset.done $0x0;
	s4 =	rddreg [dreg:$0x1d]  }
0x106: {  	[sflag:s14] =	ssyncadd.s32 $0xFFFFFD80;
	s3 =	sshrl.u32 s4, $0x3;
	s4 =	rddreg [dreg:$0xc]  }
0x107: {  	[hbm:s4], [sflag:s2] =	dma.local [spmem:s3], $0x280  }
0x108: {  	_ =	swait.ge [sflag:s14], $0x280  }
0x109: {  	[sflag:s14] =	ssyncset.done $0x0;
	s4 =	rddreg [dreg:$0x1e]  }
0x10a: {  	[sflag:s14] =	ssyncadd.s32 $0xFFFFFD80;
	s3 =	sshrl.u32 s4, $0x3;
	s4 =	rddreg [dreg:$0xd]  }
0x10b: {  	[hbm:s4], [sflag:s2] =	dma.local [spmem:s3], $0x280  }
0x10c: {  	_ =	swait.ge [sflag:s14], $0x280  }
0x10d: {  	[sflag:s14] =	ssyncset.done $0x0;
	s4 =	rddreg [dreg:$0x1f]  }
0x10e: {  	[sflag:s14] =	ssyncadd.s32 $0xFFFFFD80;
	s3 =	sshrl.u32 s4, $0x3;
	s4 =	rddreg [dreg:$0xe]  }
0x10f: {  	[hbm:s4], [sflag:s2] =	dma.local [spmem:s3], $0x280  }
0x110: {  	_ =	swait.ge [sflag:s14], $0x280  }
0x111: {  	s4 =	sld [smem:$0x7FA];
	_ =	sdelay $0x1  }
0x112: {  	[sflag:s14] =	ssyncset.done $0x0  }
0x113: {  	[sflag:s14] =	ssyncadd.s32 $0xFFFFFD80;
	s3 =	sshrl.u32 s4, $0x3;
	s4 =	rddreg [dreg:$0xf]  }
0x114: {  	[hbm:s4], [sflag:s2] =	dma.local [spmem:s3], $0x280  }
0x115: {  	_ =	swait.ge [sflag:s14], $0x280  }
0x116: {  	s4 =	sld [smem:$0x7FB];
	_ =	sdelay $0x1  }
0x117: {  	[sflag:s14] =	ssyncset.done $0x0  }
0x118: {  	[sflag:s14] =	ssyncadd.s32 $0xFFFFFD80;
	s3 =	sshrl.u32 s4, $0x3;
	s4 =	rddreg [dreg:$0x10]  }
0x119: {  	[hbm:s4], [sflag:s2] =	dma.local [spmem:s3], $0x280  }
0x11a: {  	_ =	swait.ge [sflag:s14], $0x280  }
0x11b: {  	[sflag:s14] =	ssyncset.done $0x0  }
0x11c: {  	s3 =	sshrl.u32 s5, $0x3;
	s4 =	rddreg [dreg:$0x11];
	[sflag:s14] =	ssyncadd.s32 $0xFFFFFD80  }
0x11d: {  	[hbm:s4], [sflag:s2] =	dma.local [spmem:s3], $0x280  }
0x11e: {  	_ =	swait.ge [sflag:s14], $0x280  }
0x11f: {  	[sflag:s14] =	ssyncset.done $0x0  }
0x120: {  	s3 =	sshrl.u32 s6, $0x3;
	s4 =	rddreg [dreg:$0x12];
	[sflag:s14] =	ssyncadd.s32 $0xFFFFFD80  }
0x121: {  	[hbm:s4], [sflag:s2] =	dma.local [spmem:s3], $0x280  }
0x122: {  	_ =	swait.ge [sflag:s14], $0x280  }
0x123: {  	[sflag:s14] =	ssyncset.done $0x0  }
0x124: {  	s3 =	sshrl.u32 s7, $0x3;
	s4 =	rddreg [dreg:$0x13];
	[sflag:s14] =	ssyncadd.s32 $0xFFFFFD80  }
0x125: {  	[hbm:s4], [sflag:s2] =	dma.local [spmem:s3], $0x280  }
0x126: {  	_ =	swait.ge [sflag:s14], $0x280  }
0x127: {  	[sflag:s14] =	ssyncset.done $0x0  }
0x128: {  	s3 =	sshrl.u32 s8, $0x3;
	s4 =	rddreg [dreg:$0x14];
	[sflag:s14] =	ssyncadd.s32 $0xFFFFFD80  }
0x129: {  	[hbm:s4], [sflag:s2] =	dma.local [spmem:s3], $0x280  }
0x12a: {  	_ =	swait.ge [sflag:s14], $0x280  }
0x12b: {  	[sflag:s14] =	ssyncset.done $0x0  }
0x12c: {  	s3 =	sshrl.u32 s9, $0x3;
	s4 =	rddreg [dreg:$0x15];
	[sflag:s14] =	ssyncadd.s32 $0xFFFFFD80  }
0x12d: {  	[hbm:s4], [sflag:s2] =	dma.local [spmem:s3], $0x280  }
0x12e: {  	_ =	swait.ge [sflag:s14], $0x280  }
0x12f: {  	s4 =	sld [smem:$0x7FD];
	_ =	sdelay $0x1  }
0x130: {  	s0 =	sadd.s32 $0x1, s0  }
0x131: {  	p0 =	sne.s32 s0, s4  }
.Ltmp2:
0x132: {  	_ = 	snop;
	(pc) =	sbr.rel @p0 .LBB2_1-.Ltmp2, $3  }
0x133: {  	_ =	sdelay $0x1  }
0x134: {  	[sflag:s14] =	ssyncset.done $0x0  }
0x135: {  	[sflag:s14] =	ssyncadd.s32 $0xFFFFFD80  }
0x136: {  	_ =	sfence.sel $0x180000  }
0x137: {  	[bflag:$0x0] =	sbarrier.arrive $0xFFFF  }
0x138: {  	_ =	strace $0x90000047  }
0x139: {  	s0 =	stileid.u32;
	[bflag:$0x2] =	sbarrier.arrive $0xFFFF  }
0x13a: {  	p0 =	sne.s32 s0, $0x0;
	s0 =	rddreg [dreg:$0x4]  }
0x13b: {  	s0 =	sadd.s32 @!p0 $0x100000, s0  }
0x13c: {  	[sflag:s0] =	ssyncadd.tile.s32 @!p0 $0x1;
	_ =	shalt  }
.Lfunc_end2:
_tile_overlayer_lowered:
.L_overlay_start_2:
0x13d: {  	(tag) =	ssettag $0x2  }
0x13e: {  	s0 =	rddreg [dreg:$0x0];
	s2 =	stileid.u32  }
0x13f: {  	s1 =	rddreg [dreg:$0x1];
	p0 =	sne.s32 s2, $0x0  }
0x140: {  	s3 =	rddreg [dreg:$0x2];
	[bflag:$0x3] =	sbarrier.arrive $0xFFFF;
	s2 =	simm.s32 @!p0 $0x1C04  }
0x141: {  	[timem:s3], [sflag:s2] =	dma.local @!p0 [hbm:s0], s1  }
0x142: {  	s0 =	simm.s32 @!p0 $0x4  }
0x143: {  	_ =	swait.ge @!p0 [sflag:s0], s1  }
0x144: {  	s1 =	ssub.s32 @!p0 $0x0, s1;
	[sflag:s0] =	ssyncset.done @!p0 $0x0  }
0x145: {  	[sflag:s0] =	ssyncadd.s32 @!p0 s1  }
0x146: {  	[bflag:$0x3] =	sbarrier.arrive $0xFFFF  }
0x147: {  	_ =	shalt  }

</sc_bundles>
